<compile_context>
chip_gen: v7x
topology: tpu7x:2x2x1
jax: 0.10.2.dev20260603
libtpu: 0.0.44.dev20260713+nightly
codegen_flags: <defaults>
</compile_context>

<pallas_src>
import jax
import jax.numpy as jnp
from jax import lax
from jax.experimental import pallas as pl
from jax.experimental.pallas import tpu as pltpu
from jax.experimental.pallas import tpu_sc as plsc

VOCAB = 64
SEQ = 8
NQ = 1024
NSUP = 100000
FEAT = SEQ * VOCAB
CHUNK = 5000
NTYPES = 5
NMEAN = 10
OUTW = NTYPES * NMEAN
IDX_SCALE = 131072.0

def _i32(x):
    return jnp.asarray(x, jnp.int32)




def _argmax_body(utts_ref, sup_ref, out_ref, q1h_ref, best_ref):
    i = pl.program_id(0)
    nsteps = pl.num_programs(0)

    @pl.when(i == 0)
    def _init():
        best_ref[...] = jnp.full((NQ, 1), -1.0, jnp.float32)
        for p in range(SEQ):
            tok = utts_ref[:, p : p + 1]
            v = lax.broadcasted_iota(jnp.int32, (NQ, VOCAB), 1)
            q1h_ref[:, p * VOCAB : (p + 1) * VOCAB] = (
                (tok == v).astype(jnp.float32) * IDX_SCALE
            )

    matches = lax.dot_general(
        q1h_ref[...],
        sup_ref[...],
        (((1,), (1,)), ((), ())),
        precision=lax.Precision.DEFAULT,
        preferred_element_type=jnp.float32,
    )
    col = lax.broadcasted_iota(jnp.int32, (1, CHUNK), 1).astype(jnp.float32)
    base = (i * CHUNK).astype(jnp.float32)
    key = matches + ((IDX_SCALE - 1.0) - (base + col))
    step_best = jnp.max(key, axis=1, keepdims=True)
    best_ref[...] = jnp.maximum(best_ref[...], step_best)

    @pl.when(i == nsteps - 1)
    def _fin():
        b = best_ref[...]
        m = jnp.floor(b / IDX_SCALE)
        rem = b - m * IDX_SCALE
        out_ref[...] = ((IDX_SCALE - 1.0) - rem).astype(jnp.int32)


def _best_index(utts_q, utts_t, interpret=False):
    return pl.pallas_call(
        _argmax_body,
        grid=(NSUP // CHUNK,),
        in_specs=[
            pl.BlockSpec((NQ, SEQ), lambda i: (_i32(0), _i32(0))),
            pl.BlockSpec((CHUNK, FEAT), lambda i: (_i32(i), _i32(0))),
        ],
        out_specs=pl.BlockSpec((NQ, 1), lambda i: (_i32(0), _i32(0))),
        out_shape=jax.ShapeDtypeStruct((NQ, 1), jnp.int32),
        scratch_shapes=[
            pltpu.VMEM((NQ, FEAT), jnp.float32),
            pltpu.VMEM((NQ, 1), jnp.float32),
        ],
        interpret=interpret,
    )(utts_q, utts_t)



_SC_CORES = 2
_SC_WORKERS = 16 * _SC_CORES
_BW = NQ // _SC_WORKERS


def _gather_onehot_body(idx_hbm, code_hbm, out_hbm, idx_v, c_v, out_v, sem):
    wid = lax.axis_index("s") * _SC_CORES + lax.axis_index("c")
    base = wid * _BW
    pltpu.sync_copy(idx_hbm.at[pl.ds(base, _BW)], idx_v)
    cp = pltpu.async_copy(code_hbm.at[idx_v], c_v, sem)

    zeros16 = jnp.zeros((16,), jnp.float32)
    for j in range(_BW * OUTW // 16):
        out_v[pl.ds(j * 16, 16)] = zeros16
    cp.wait()

    ones16 = jnp.ones((16,), jnp.float32)
    lanes = lax.iota(jnp.int32, 16)
    for g in range(2):
        c16 = c_v[pl.ds(g * 16, 16)]
        for k in range(NTYPES):
            m16 = lax.shift_right_logical(c16, jnp.int32(4 * k)) & jnp.int32(15)
            oidx = (g * 16 + lanes) * OUTW + k * NMEAN + m16
            plsc.store_scatter(out_v, [oidx], ones16)

    pltpu.sync_copy(out_v, out_hbm.at[pl.ds(base * OUTW, _BW * OUTW)])


def _make_gather_onehot():
    mesh = plsc.VectorSubcoreMesh(
        core_axis_name="c", subcore_axis_name="s", num_cores=_SC_CORES
    )
    return pl.kernel(
        _gather_onehot_body,
        mesh=mesh,
        compiler_params=pltpu.CompilerParams(
            needs_layout_passes=False,
            use_tc_tiling_on_sc=False,
            skip_device_barrier=True,
        ),
        out_type=jax.ShapeDtypeStruct((NQ * OUTW,), jnp.float32),
        scratch_types=[
            pltpu.VMEM((_BW,), jnp.int32),
            pltpu.VMEM((_BW,), jnp.int32),
            pltpu.VMEM((_BW * OUTW,), jnp.float32),
            pltpu.SemaphoreType.DMA,
        ],
    )




def kernel(utts, utts_t, meanings_t):
    utts_q = jnp.transpose(utts).astype(jnp.int32)
    m32 = jnp.transpose(meanings_t, (1, 0)).astype(jnp.int32)
    nib = jnp.array([1, 16, 256, 4096, 65536], jnp.int32)
    code = jnp.sum(m32 * nib[:, None], axis=0, dtype=jnp.int32)
    best = _best_index(utts_q, utts_t)
    idx = best.reshape(NQ)
    flat = _make_gather_onehot()(idx, code)
    return flat.reshape(NQ, NTYPES, NMEAN)

# --- scband reference (transcript-rebuilt; emitter-appended) ---
"""Pipeline reference for scband-knnmodel-64390149701942 (READ-ONLY COPY).

The authoritative reference and input builder live on the scoring server;
editing this copy changes nothing except your own understanding.
"""

import jax, jax.numpy as jnp
import numpy as np

jax.config.update("jax_enable_x64", True)

VOCAB_SIZE = 64
UTT_LEN = 8
NUM_MEANING_TYPES = 5
MEANINGS_PER_TYPE = 10
MEANING_SPACE = MEANINGS_PER_TYPE ** NUM_MEANING_TYPES  # 100000
BATCH = 1024
K = 1


def setup_inputs(seed: int = 0) -> dict:
    key = jax.random.key(seed)
    k1, k2, k3 = jax.random.split(key, 3)
    # forward input: utterances [seq_len, batch] of token ids
    utts = jax.random.randint(k1, (UTT_LEN, BATCH), 0, VOCAB_SIZE, dtype=jnp.int64)
    # trained-state buffers (model assumed fully trained: support_size == meaning_space_size)
    # utts_t rows are one-hot encodings of stored utterances, exactly as run_training's scatter_ builds them
    support_tokens = jax.random.randint(k2, (MEANING_SPACE, UTT_LEN), 0, VOCAB_SIZE, dtype=jnp.int64)
    utts_t = jax.nn.one_hot(support_tokens, VOCAB_SIZE, dtype=jnp.float32).reshape(MEANING_SPACE, UTT_LEN * VOCAB_SIZE)
    meanings_t = jax.random.randint(k3, (MEANING_SPACE, NUM_MEANING_TYPES), 0, MEANINGS_PER_TYPE, dtype=jnp.int64)
    return {"utts": utts, "utts_t": utts_t, "meanings_t": meanings_t}


def reference(utts, utts_t, meanings_t):
    M, N = utts.shape  # seq_len, batch
    # batch = utts.transpose(0,1).view(N, -1)
    batch = jnp.transpose(utts, (1, 0)).reshape(N, M)
    # batch_fluffy: scatter_(2, batch.unsqueeze(-1), 1) == one-hot over vocab
    batch_fluffy = jax.nn.one_hot(batch, VOCAB_SIZE, dtype=jnp.float32).reshape(N, M * VOCAB_SIZE)
    batch_squared = (batch_fluffy * batch_fluffy).sum(axis=1)
    support = utts_t  # [:support_size] with support_size == MEANING_SPACE
    support_squared = (support * support).sum(axis=1)
    transpose = batch_fluffy @ support.T
    squared_dist = batch_squared[:, None] + support_squared[None, :] - 2.0 * transpose
    # topk(k=K, largest=False) -> smallest squared distance
    _, top_k = jax.lax.top_k(-squared_dist, K)  # [N, K]
    meanings = jnp.take(meanings_t, top_k, axis=0)  # [N, K, T]
    meanings = jnp.squeeze(meanings, axis=1)  # [N, T]
    # meanings_onehot: scatter_(2, meanings.unsqueeze(-1), 1) == one-hot
    meanings_onehot = jax.nn.one_hot(meanings, MEANINGS_PER_TYPE, dtype=jnp.float32)
    return meanings_onehot

if __name__ == "__main__":
    import jax
    _d = setup_inputs()
    print(jax.jit(kernel)(*tuple(_d.values())))

</pallas_src>

<mosaic_0001>
#map = affine_map<(d0, d1) -> (0)>
module attributes {stable_mosaic.version = 14 : i64} {
  func.func @_gather_onehot_body(%arg0: i32, %arg1: i32, %arg2: memref<1024xi32, #tpu.memory_space<hbm>>, %arg3: memref<100000xi32, #tpu.memory_space<hbm>>, %arg4: memref<51200xf32, #tpu.memory_space<hbm>>, %arg5: memref<32xi32, #tpu.memory_space<vmem>>, %arg6: memref<32xi32, #tpu.memory_space<vmem>>, %arg7: memref<1600xf32, #tpu.memory_space<vmem>>, %arg8: memref<!tpu.dma_semaphore, #tpu.memory_space<semaphore_mem>>) attributes {dimension_semantics = [#tpu.dimension_semantics<core_parallel>, #tpu.dimension_semantics<subcore_parallel>], iteration_bounds = array<i64: 2, 16>, scalar_prefetch = 0 : i64, scratch_operands = 4 : i64, tpu.core_type = #tpu.core_type<sc_vector_subcore>, window_params = [{transform_indices = #map}, {transform_indices = #map}, {transform_indices = #map}]} {
    %mul3A = arith.constant 2 : i32
    %mul3A_0 = arith.muli %arg1, %mul3A : i32
    %add3A = arith.addi %mul3A_0, %arg0 : i32
    %mul3A_1 = arith.constant 32 : i32
    %mul3A_2 = arith.muli %add3A, %mul3A_1 : i32
    "tpu.region"() ({
      %run_scoped3A = tpu.sem_alloc : memref<!tpu.dma_semaphore, #tpu.memory_space<semaphore_mem>>
      %dma_start3A_370 = tpu.memref_slice %arg2[%mul3A_2] : memref<1024xi32, #tpu.memory_space<hbm>> -> memref<32xi32, #tpu.memory_space<hbm>>
      %dma_start3A_371 = tpu.memref_slice %arg2[%mul3A_2] : memref<1024xi32, #tpu.memory_space<hbm>> -> memref<32xi32, #tpu.memory_space<hbm>>
      tpu.enqueue_dma source(%dma_start3A_371 : memref<32xi32, #tpu.memory_space<hbm>>) target(%arg5 : memref<32xi32, #tpu.memory_space<vmem>>) target_semaphore(%run_scoped3A : memref<!tpu.dma_semaphore, #tpu.memory_space<semaphore_mem>>)
      %dma_wait3A_372 = tpu.memref_slice %arg2[%mul3A_2] : memref<1024xi32, #tpu.memory_space<hbm>> -> memref<32xi32, #tpu.memory_space<hbm>>
      %dma_wait3A_373 = tpu.memref_slice %arg2[%mul3A_2] : memref<1024xi32, #tpu.memory_space<hbm>> -> memref<32xi32, #tpu.memory_space<hbm>>
      tpu.wait_dma2 semaphore(%run_scoped3A : memref<!tpu.dma_semaphore, #tpu.memory_space<semaphore_mem>>) src(%dma_wait3A_373 : memref<32xi32, #tpu.memory_space<hbm>>) dst(%arg5 : memref<32xi32, #tpu.memory_space<vmem>>)
      tpu.yield
    }) : () -> ()
    %dma_start3A = arith.constant 0 : i32
    %dma_start3A_3 = tpu.memref_slice %arg3[%dma_start3A] : memref<100000xi32, #tpu.memory_space<hbm>> -> memref<100000xi32, #tpu.memory_space<hbm>>
    tpu.enqueue_indirect_dma source(%dma_start3A_3 : memref<100000xi32, #tpu.memory_space<hbm>>) target(%arg6 : memref<32xi32, #tpu.memory_space<vmem>>) offsets(%arg5 : memref<32xi32, #tpu.memory_space<vmem>>) semaphore(%arg8 : memref<!tpu.dma_semaphore, #tpu.memory_space<semaphore_mem>>)
    %broadcast_in_dim3A = arith.constant 0.000000e+00 : f32
    %broadcast_in_dim3A_4 = vector.broadcast %broadcast_in_dim3A : f32 to vector<16xf32>
    %swap3A = arith.constant 0 : index
    %swap3A_5 = tpu.vector_load %arg7[%swap3A] {strides = array<i32>} : memref<1600xf32, #tpu.memory_space<vmem>>, vector<16xf32>,
    tpu.vector_store %arg7[%swap3A], %broadcast_in_dim3A_4 {strides = array<i32>} : memref<1600xf32, #tpu.memory_space<vmem>>, vector<16xf32>,
    %swap3A_6 = arith.constant 16 : index
    %swap3A_7 = tpu.vector_load %arg7[%swap3A_6] {strides = array<i32>} : memref<1600xf32, #tpu.memory_space<vmem>>, vector<16xf32>,
    tpu.vector_store %arg7[%swap3A_6], %broadcast_in_dim3A_4 {strides = array<i32>} : memref<1600xf32, #tpu.memory_space<vmem>>, vector<16xf32>,
    %swap3A_8 = arith.constant 32 : index
    %swap3A_9 = tpu.vector_load %arg7[%swap3A_8] {strides = array<i32>} : memref<1600xf32, #tpu.memory_space<vmem>>, vector<16xf32>,
    tpu.vector_store %arg7[%swap3A_8], %broadcast_in_dim3A_4 {strides = array<i32>} : memref<1600xf32, #tpu.memory_space<vmem>>, vector<16xf32>,
    %swap3A_10 = arith.constant 48 : index
    %swap3A_11 = tpu.vector_load %arg7[%swap3A_10] {strides = array<i32>} : memref<1600xf32, #tpu.memory_space<vmem>>, vector<16xf32>,
    tpu.vector_store %arg7[%swap3A_10], %broadcast_in_dim3A_4 {strides = array<i32>} : memref<1600xf32, #tpu.memory_space<vmem>>, vector<16xf32>,
    %swap3A_12 = arith.constant 64 : index
    %swap3A_13 = tpu.vector_load %arg7[%swap3A_12] {strides = array<i32>} : memref<1600xf32, #tpu.memory_space<vmem>>, vector<16xf32>,
    tpu.vector_store %arg7[%swap3A_12], %broadcast_in_dim3A_4 {strides = array<i32>} : memref<1600xf32, #tpu.memory_space<vmem>>, vector<16xf32>,
    %swap3A_14 = arith.constant 80 : index
    %swap3A_15 = tpu.vector_load %arg7[%swap3A_14] {strides = array<i32>} : memref<1600xf32, #tpu.memory_space<vmem>>, vector<16xf32>,
    tpu.vector_store %arg7[%swap3A_14], %broadcast_in_dim3A_4 {strides = array<i32>} : memref<1600xf32, #tpu.memory_space<vmem>>, vector<16xf32>,
    %swap3A_16 = arith.constant 96 : index
    %swap3A_17 = tpu.vector_load %arg7[%swap3A_16] {strides = array<i32>} : memref<1600xf32, #tpu.memory_space<vmem>>, vector<16xf32>,
    tpu.vector_store %arg7[%swap3A_16], %broadcast_in_dim3A_4 {strides = array<i32>} : memref<1600xf32, #tpu.memory_space<vmem>>, vector<16xf32>,
    %swap3A_18 = arith.constant 112 : index
    %swap3A_19 = tpu.vector_load %arg7[%swap3A_18] {strides = array<i32>} : memref<1600xf32, #tpu.memory_space<vmem>>, vector<16xf32>,
    tpu.vector_store %arg7[%swap3A_18], %broadcast_in_dim3A_4 {strides = array<i32>} : memref<1600xf32, #tpu.memory_space<vmem>>, vector<16xf32>,
    %swap3A_20 = arith.constant 128 : index
    %swap3A_21 = tpu.vector_load %arg7[%swap3A_20] {strides = array<i32>} : memref<1600xf32, #tpu.memory_space<vmem>>, vector<16xf32>,
    tpu.vector_store %arg7[%swap3A_20], %broadcast_in_dim3A_4 {strides = array<i32>} : memref<1600xf32, #tpu.memory_space<vmem>>, vector<16xf32>,
    %swap3A_22 = arith.constant 144 : index
    %swap3A_23 = tpu.vector_load %arg7[%swap3A_22] {strides = array<i32>} : memref<1600xf32, #tpu.memory_space<vmem>>, vector<16xf32>,
    tpu.vector_store %arg7[%swap3A_22], %broadcast_in_dim3A_4 {strides = array<i32>} : memref<1600xf32, #tpu.memory_space<vmem>>, vector<16xf32>,
    %swap3A_24 = arith.constant 160 : index
    %swap3A_25 = tpu.vector_load %arg7[%swap3A_24] {strides = array<i32>} : memref<1600xf32, #tpu.memory_space<vmem>>, vector<16xf32>,
    tpu.vector_store %arg7[%swap3A_24], %broadcast_in_dim3A_4 {strides = array<i32>} : memref<1600xf32, #tpu.memory_space<vmem>>, vector<16xf32>,
    %swap3A_26 = arith.constant 176 : index
    %swap3A_27 = tpu.vector_load %arg7[%swap3A_26] {strides = array<i32>} : memref<1600xf32, #tpu.memory_space<vmem>>, vector<16xf32>,
    tpu.vector_store %arg7[%swap3A_26], %broadcast_in_dim3A_4 {strides = array<i32>} : memref<1600xf32, #tpu.memory_space<vmem>>, vector<16xf32>,
    %swap3A_28 = arith.constant 192 : index
    %swap3A_29 = tpu.vector_load %arg7[%swap3A_28] {strides = array<i32>} : memref<1600xf32, #tpu.memory_space<vmem>>, vector<16xf32>,
    tpu.vector_store %arg7[%swap3A_28], %broadcast_in_dim3A_4 {strides = array<i32>} : memref<1600xf32, #tpu.memory_space<vmem>>, vector<16xf32>,
    %swap3A_30 = arith.constant 208 : index
    %swap3A_31 = tpu.vector_load %arg7[%swap3A_30] {strides = array<i32>} : memref<1600xf32, #tpu.memory_space<vmem>>, vector<16xf32>,
    tpu.vector_store %arg7[%swap3A_30], %broadcast_in_dim3A_4 {strides = array<i32>} : memref<1600xf32, #tpu.memory_space<vmem>>, vector<16xf32>,
    %swap3A_32 = arith.constant 224 : index
    %swap3A_33 = tpu.vector_load %arg7[%swap3A_32] {strides = array<i32>} : memref<1600xf32, #tpu.memory_space<vmem>>, vector<16xf32>,
    tpu.vector_store %arg7[%swap3A_32], %broadcast_in_dim3A_4 {strides = array<i32>} : memref<1600xf32, #tpu.memory_space<vmem>>, vector<16xf32>,
    %swap3A_34 = arith.constant 240 : index
    %swap3A_35 = tpu.vector_load %arg7[%swap3A_34] {strides = array<i32>} : memref<1600xf32, #tpu.memory_space<vmem>>, vector<16xf32>,
    tpu.vector_store %arg7[%swap3A_34], %broadcast_in_dim3A_4 {strides = array<i32>} : memref<1600xf32, #tpu.memory_space<vmem>>, vector<16xf32>,
    %swap3A_36 = arith.constant 256 : index
    %swap3A_37 = tpu.vector_load %arg7[%swap3A_36] {strides = array<i32>} : memref<1600xf32, #tpu.memory_space<vmem>>, vector<16xf32>,
    tpu.vector_store %arg7[%swap3A_36], %broadcast_in_dim3A_4 {strides = array<i32>} : memref<1600xf32, #tpu.memory_space<vmem>>, vector<16xf32>,
    %swap3A_38 = arith.constant 272 : index
    %swap3A_39 = tpu.vector_load %arg7[%swap3A_38] {strides = array<i32>} : memref<1600xf32, #tpu.memory_space<vmem>>, vector<16xf32>,
    tpu.vector_store %arg7[%swap3A_38], %broadcast_in_dim3A_4 {strides = array<i32>} : memref<1600xf32, #tpu.memory_space<vmem>>, vector<16xf32>,
    %swap3A_40 = arith.constant 288 : index
    %swap3A_41 = tpu.vector_load %arg7[%swap3A_40] {strides = array<i32>} : memref<1600xf32, #tpu.memory_space<vmem>>, vector<16xf32>,
    tpu.vector_store %arg7[%swap3A_40], %broadcast_in_dim3A_4 {strides = array<i32>} : memref<1600xf32, #tpu.memory_space<vmem>>, vector<16xf32>,
    %swap3A_42 = arith.constant 304 : index
    %swap3A_43 = tpu.vector_load %arg7[%swap3A_42] {strides = array<i32>} : memref<1600xf32, #tpu.memory_space<vmem>>, vector<16xf32>,
    tpu.vector_store %arg7[%swap3A_42], %broadcast_in_dim3A_4 {strides = array<i32>} : memref<1600xf32, #tpu.memory_space<vmem>>, vector<16xf32>,
    %swap3A_44 = arith.constant 320 : index
    %swap3A_45 = tpu.vector_load %arg7[%swap3A_44] {strides = array<i32>} : memref<1600xf32, #tpu.memory_space<vmem>>, vector<16xf32>,
    tpu.vector_store %arg7[%swap3A_44], %broadcast_in_dim3A_4 {strides = array<i32>} : memref<1600xf32, #tpu.memory_space<vmem>>, vector<16xf32>,
    %swap3A_46 = arith.constant 336 : index
    %swap3A_47 = tpu.vector_load %arg7[%swap3A_46] {strides = array<i32>} : memref<1600xf32, #tpu.memory_space<vmem>>, vector<16xf32>,
    tpu.vector_store %arg7[%swap3A_46], %broadcast_in_dim3A_4 {strides = array<i32>} : memref<1600xf32, #tpu.memory_space<vmem>>, vector<16xf32>,
    %swap3A_48 = arith.constant 352 : index
    %swap3A_49 = tpu.vector_load %arg7[%swap3A_48] {strides = array<i32>} : memref<1600xf32, #tpu.memory_space<vmem>>, vector<16xf32>,
    tpu.vector_store %arg7[%swap3A_48], %broadcast_in_dim3A_4 {strides = array<i32>} : memref<1600xf32, #tpu.memory_space<vmem>>, vector<16xf32>,
    %swap3A_50 = arith.constant 368 : index
    %swap3A_51 = tpu.vector_load %arg7[%swap3A_50] {strides = array<i32>} : memref<1600xf32, #tpu.memory_space<vmem>>, vector<16xf32>,
    tpu.vector_store %arg7[%swap3A_50], %broadcast_in_dim3A_4 {strides = array<i32>} : memref<1600xf32, #tpu.memory_space<vmem>>, vector<16xf32>,
    %swap3A_52 = arith.constant 384 : index
    %swap3A_53 = tpu.vector_load %arg7[%swap3A_52] {strides = array<i32>} : memref<1600xf32, #tpu.memory_space<vmem>>, vector<16xf32>,
    tpu.vector_store %arg7[%swap3A_52], %broadcast_in_dim3A_4 {strides = array<i32>} : memref<1600xf32, #tpu.memory_space<vmem>>, vector<16xf32>,
    %swap3A_54 = arith.constant 400 : index
    %swap3A_55 = tpu.vector_load %arg7[%swap3A_54] {strides = array<i32>} : memref<1600xf32, #tpu.memory_space<vmem>>, vector<16xf32>,
    tpu.vector_store %arg7[%swap3A_54], %broadcast_in_dim3A_4 {strides = array<i32>} : memref<1600xf32, #tpu.memory_space<vmem>>, vector<16xf32>,
    %swap3A_56 = arith.constant 416 : index
    %swap3A_57 = tpu.vector_load %arg7[%swap3A_56] {strides = array<i32>} : memref<1600xf32, #tpu.memory_space<vmem>>, vector<16xf32>,
    tpu.vector_store %arg7[%swap3A_56], %broadcast_in_dim3A_4 {strides = array<i32>} : memref<1600xf32, #tpu.memory_space<vmem>>, vector<16xf32>,
    %swap3A_58 = arith.constant 432 : index
    %swap3A_59 = tpu.vector_load %arg7[%swap3A_58] {strides = array<i32>} : memref<1600xf32, #tpu.memory_space<vmem>>, vector<16xf32>,
    tpu.vector_store %arg7[%swap3A_58], %broadcast_in_dim3A_4 {strides = array<i32>} : memref<1600xf32, #tpu.memory_space<vmem>>, vector<16xf32>,
    %swap3A_60 = arith.constant 448 : index
    %swap3A_61 = tpu.vector_load %arg7[%swap3A_60] {strides = array<i32>} : memref<1600xf32, #tpu.memory_space<vmem>>, vector<16xf32>,
    tpu.vector_store %arg7[%swap3A_60], %broadcast_in_dim3A_4 {strides = array<i32>} : memref<1600xf32, #tpu.memory_space<vmem>>, vector<16xf32>,
    %swap3A_62 = arith.constant 464 : index
    %swap3A_63 = tpu.vector_load %arg7[%swap3A_62] {strides = array<i32>} : memref<1600xf32, #tpu.memory_space<vmem>>, vector<16xf32>,
    tpu.vector_store %arg7[%swap3A_62], %broadcast_in_dim3A_4 {strides = array<i32>} : memref<1600xf32, #tpu.memory_space<vmem>>, vector<16xf32>,
    %swap3A_64 = arith.constant 480 : index
    %swap3A_65 = tpu.vector_load %arg7[%swap3A_64] {strides = array<i32>} : memref<1600xf32, #tpu.memory_space<vmem>>, vector<16xf32>,
    tpu.vector_store %arg7[%swap3A_64], %broadcast_in_dim3A_4 {strides = array<i32>} : memref<1600xf32, #tpu.memory_space<vmem>>, vector<16xf32>,
    %swap3A_66 = arith.constant 496 : index
    %swap3A_67 = tpu.vector_load %arg7[%swap3A_66] {strides = array<i32>} : memref<1600xf32, #tpu.memory_space<vmem>>, vector<16xf32>,
    tpu.vector_store %arg7[%swap3A_66], %broadcast_in_dim3A_4 {strides = array<i32>} : memref<1600xf32, #tpu.memory_space<vmem>>, vector<16xf32>,
    %swap3A_68 = arith.constant 512 : index
    %swap3A_69 = tpu.vector_load %arg7[%swap3A_68] {strides = array<i32>} : memref<1600xf32, #tpu.memory_space<vmem>>, vector<16xf32>,
    tpu.vector_store %arg7[%swap3A_68], %broadcast_in_dim3A_4 {strides = array<i32>} : memref<1600xf32, #tpu.memory_space<vmem>>, vector<16xf32>,
    %swap3A_70 = arith.constant 528 : index
    %swap3A_71 = tpu.vector_load %arg7[%swap3A_70] {strides = array<i32>} : memref<1600xf32, #tpu.memory_space<vmem>>, vector<16xf32>,
    tpu.vector_store %arg7[%swap3A_70], %broadcast_in_dim3A_4 {strides = array<i32>} : memref<1600xf32, #tpu.memory_space<vmem>>, vector<16xf32>,
    %swap3A_72 = arith.constant 544 : index
    %swap3A_73 = tpu.vector_load %arg7[%swap3A_72] {strides = array<i32>} : memref<1600xf32, #tpu.memory_space<vmem>>, vector<16xf32>,
    tpu.vector_store %arg7[%swap3A_72], %broadcast_in_dim3A_4 {strides = array<i32>} : memref<1600xf32, #tpu.memory_space<vmem>>, vector<16xf32>,
    %swap3A_74 = arith.constant 560 : index
    %swap3A_75 = tpu.vector_load %arg7[%swap3A_74] {strides = array<i32>} : memref<1600xf32, #tpu.memory_space<vmem>>, vector<16xf32>,
    tpu.vector_store %arg7[%swap3A_74], %broadcast_in_dim3A_4 {strides = array<i32>} : memref<1600xf32, #tpu.memory_space<vmem>>, vector<16xf32>,
    %swap3A_76 = arith.constant 576 : index
    %swap3A_77 = tpu.vector_load %arg7[%swap3A_76] {strides = array<i32>} : memref<1600xf32, #tpu.memory_space<vmem>>, vector<16xf32>,
    tpu.vector_store %arg7[%swap3A_76], %broadcast_in_dim3A_4 {strides = array<i32>} : memref<1600xf32, #tpu.memory_space<vmem>>, vector<16xf32>,
    %swap3A_78 = arith.constant 592 : index
    %swap3A_79 = tpu.vector_load %arg7[%swap3A_78] {strides = array<i32>} : memref<1600xf32, #tpu.memory_space<vmem>>, vector<16xf32>,
    tpu.vector_store %arg7[%swap3A_78], %broadcast_in_dim3A_4 {strides = array<i32>} : memref<1600xf32, #tpu.memory_space<vmem>>, vector<16xf32>,
    %swap3A_80 = arith.constant 608 : index
    %swap3A_81 = tpu.vector_load %arg7[%swap3A_80] {strides = array<i32>} : memref<1600xf32, #tpu.memory_space<vmem>>, vector<16xf32>,
    tpu.vector_store %arg7[%swap3A_80], %broadcast_in_dim3A_4 {strides = array<i32>} : memref<1600xf32, #tpu.memory_space<vmem>>, vector<16xf32>,
    %swap3A_82 = arith.constant 624 : index
    %swap3A_83 = tpu.vector_load %arg7[%swap3A_82] {strides = array<i32>} : memref<1600xf32, #tpu.memory_space<vmem>>, vector<16xf32>,
    tpu.vector_store %arg7[%swap3A_82], %broadcast_in_dim3A_4 {strides = array<i32>} : memref<1600xf32, #tpu.memory_space<vmem>>, vector<16xf32>,
    %swap3A_84 = arith.constant 640 : index
    %swap3A_85 = tpu.vector_load %arg7[%swap3A_84] {strides = array<i32>} : memref<1600xf32, #tpu.memory_space<vmem>>, vector<16xf32>,
    tpu.vector_store %arg7[%swap3A_84], %broadcast_in_dim3A_4 {strides = array<i32>} : memref<1600xf32, #tpu.memory_space<vmem>>, vector<16xf32>,
    %swap3A_86 = arith.constant 656 : index
    %swap3A_87 = tpu.vector_load %arg7[%swap3A_86] {strides = array<i32>} : memref<1600xf32, #tpu.memory_space<vmem>>, vector<16xf32>,
    tpu.vector_store %arg7[%swap3A_86], %broadcast_in_dim3A_4 {strides = array<i32>} : memref<1600xf32, #tpu.memory_space<vmem>>, vector<16xf32>,
    %swap3A_88 = arith.constant 672 : index
    %swap3A_89 = tpu.vector_load %arg7[%swap3A_88] {strides = array<i32>} : memref<1600xf32, #tpu.memory_space<vmem>>, vector<16xf32>,
    tpu.vector_store %arg7[%swap3A_88], %broadcast_in_dim3A_4 {strides = array<i32>} : memref<1600xf32, #tpu.memory_space<vmem>>, vector<16xf32>,
    %swap3A_90 = arith.constant 688 : index
    %swap3A_91 = tpu.vector_load %arg7[%swap3A_90] {strides = array<i32>} : memref<1600xf32, #tpu.memory_space<vmem>>, vector<16xf32>,
    tpu.vector_store %arg7[%swap3A_90], %broadcast_in_dim3A_4 {strides = array<i32>} : memref<1600xf32, #tpu.memory_space<vmem>>, vector<16xf32>,
    %swap3A_92 = arith.constant 704 : index
    %swap3A_93 = tpu.vector_load %arg7[%swap3A_92] {strides = array<i32>} : memref<1600xf32, #tpu.memory_space<vmem>>, vector<16xf32>,
    tpu.vector_store %arg7[%swap3A_92], %broadcast_in_dim3A_4 {strides = array<i32>} : memref<1600xf32, #tpu.memory_space<vmem>>, vector<16xf32>,
    %swap3A_94 = arith.constant 720 : index
    %swap3A_95 = tpu.vector_load %arg7[%swap3A_94] {strides = array<i32>} : memref<1600xf32, #tpu.memory_space<vmem>>, vector<16xf32>,
    tpu.vector_store %arg7[%swap3A_94], %broadcast_in_dim3A_4 {strides = array<i32>} : memref<1600xf32, #tpu.memory_space<vmem>>, vector<16xf32>,
    %swap3A_96 = arith.constant 736 : index
    %swap3A_97 = tpu.vector_load %arg7[%swap3A_96] {strides = array<i32>} : memref<1600xf32, #tpu.memory_space<vmem>>, vector<16xf32>,
    tpu.vector_store %arg7[%swap3A_96], %broadcast_in_dim3A_4 {strides = array<i32>} : memref<1600xf32, #tpu.memory_space<vmem>>, vector<16xf32>,
    %swap3A_98 = arith.constant 752 : index
    %swap3A_99 = tpu.vector_load %arg7[%swap3A_98] {strides = array<i32>} : memref<1600xf32, #tpu.memory_space<vmem>>, vector<16xf32>,
    tpu.vector_store %arg7[%swap3A_98], %broadcast_in_dim3A_4 {strides = array<i32>} : memref<1600xf32, #tpu.memory_space<vmem>>, vector<16xf32>,
    %swap3A_100 = arith.constant 768 : index
    %swap3A_101 = tpu.vector_load %arg7[%swap3A_100] {strides = array<i32>} : memref<1600xf32, #tpu.memory_space<vmem>>, vector<16xf32>,
    tpu.vector_store %arg7[%swap3A_100], %broadcast_in_dim3A_4 {strides = array<i32>} : memref<1600xf32, #tpu.memory_space<vmem>>, vector<16xf32>,
    %swap3A_102 = arith.constant 784 : index
    %swap3A_103 = tpu.vector_load %arg7[%swap3A_102] {strides = array<i32>} : memref<1600xf32, #tpu.memory_space<vmem>>, vector<16xf32>,
    tpu.vector_store %arg7[%swap3A_102], %broadcast_in_dim3A_4 {strides = array<i32>} : memref<1600xf32, #tpu.memory_space<vmem>>, vector<16xf32>,
    %swap3A_104 = arith.constant 800 : index
    %swap3A_105 = tpu.vector_load %arg7[%swap3A_104] {strides = array<i32>} : memref<1600xf32, #tpu.memory_space<vmem>>, vector<16xf32>,
    tpu.vector_store %arg7[%swap3A_104], %broadcast_in_dim3A_4 {strides = array<i32>} : memref<1600xf32, #tpu.memory_space<vmem>>, vector<16xf32>,
    %swap3A_106 = arith.constant 816 : index
    %swap3A_107 = tpu.vector_load %arg7[%swap3A_106] {strides = array<i32>} : memref<1600xf32, #tpu.memory_space<vmem>>, vector<16xf32>,
    tpu.vector_store %arg7[%swap3A_106], %broadcast_in_dim3A_4 {strides = array<i32>} : memref<1600xf32, #tpu.memory_space<vmem>>, vector<16xf32>,
    %swap3A_108 = arith.constant 832 : index
    %swap3A_109 = tpu.vector_load %arg7[%swap3A_108] {strides = array<i32>} : memref<1600xf32, #tpu.memory_space<vmem>>, vector<16xf32>,
    tpu.vector_store %arg7[%swap3A_108], %broadcast_in_dim3A_4 {strides = array<i32>} : memref<1600xf32, #tpu.memory_space<vmem>>, vector<16xf32>,
    %swap3A_110 = arith.constant 848 : index
    %swap3A_111 = tpu.vector_load %arg7[%swap3A_110] {strides = array<i32>} : memref<1600xf32, #tpu.memory_space<vmem>>, vector<16xf32>,
    tpu.vector_store %arg7[%swap3A_110], %broadcast_in_dim3A_4 {strides = array<i32>} : memref<1600xf32, #tpu.memory_space<vmem>>, vector<16xf32>,
    %swap3A_112 = arith.constant 864 : index
    %swap3A_113 = tpu.vector_load %arg7[%swap3A_112] {strides = array<i32>} : memref<1600xf32, #tpu.memory_space<vmem>>, vector<16xf32>,
    tpu.vector_store %arg7[%swap3A_112], %broadcast_in_dim3A_4 {strides = array<i32>} : memref<1600xf32, #tpu.memory_space<vmem>>, vector<16xf32>,
    %swap3A_114 = arith.constant 880 : index
    %swap3A_115 = tpu.vector_load %arg7[%swap3A_114] {strides = array<i32>} : memref<1600xf32, #tpu.memory_space<vmem>>, vector<16xf32>,
    tpu.vector_store %arg7[%swap3A_114], %broadcast_in_dim3A_4 {strides = array<i32>} : memref<1600xf32, #tpu.memory_space<vmem>>, vector<16xf32>,
    %swap3A_116 = arith.constant 896 : index
    %swap3A_117 = tpu.vector_load %arg7[%swap3A_116] {strides = array<i32>} : memref<1600xf32, #tpu.memory_space<vmem>>, vector<16xf32>,
    tpu.vector_store %arg7[%swap3A_116], %broadcast_in_dim3A_4 {strides = array<i32>} : memref<1600xf32, #tpu.memory_space<vmem>>, vector<16xf32>,
    %swap3A_118 = arith.constant 912 : index
    %swap3A_119 = tpu.vector_load %arg7[%swap3A_118] {strides = array<i32>} : memref<1600xf32, #tpu.memory_space<vmem>>, vector<16xf32>,
    tpu.vector_store %arg7[%swap3A_118], %broadcast_in_dim3A_4 {strides = array<i32>} : memref<1600xf32, #tpu.memory_space<vmem>>, vector<16xf32>,
    %swap3A_120 = arith.constant 928 : index
    %swap3A_121 = tpu.vector_load %arg7[%swap3A_120] {strides = array<i32>} : memref<1600xf32, #tpu.memory_space<vmem>>, vector<16xf32>,
    tpu.vector_store %arg7[%swap3A_120], %broadcast_in_dim3A_4 {strides = array<i32>} : memref<1600xf32, #tpu.memory_space<vmem>>, vector<16xf32>,
    %swap3A_122 = arith.constant 944 : index
    %swap3A_123 = tpu.vector_load %arg7[%swap3A_122] {strides = array<i32>} : memref<1600xf32, #tpu.memory_space<vmem>>, vector<16xf32>,
    tpu.vector_store %arg7[%swap3A_122], %broadcast_in_dim3A_4 {strides = array<i32>} : memref<1600xf32, #tpu.memory_space<vmem>>, vector<16xf32>,
    %swap3A_124 = arith.constant 960 : index
    %swap3A_125 = tpu.vector_load %arg7[%swap3A_124] {strides = array<i32>} : memref<1600xf32, #tpu.memory_space<vmem>>, vector<16xf32>,
    tpu.vector_store %arg7[%swap3A_124], %broadcast_in_dim3A_4 {strides = array<i32>} : memref<1600xf32, #tpu.memory_space<vmem>>, vector<16xf32>,
    %swap3A_126 = arith.constant 976 : index
    %swap3A_127 = tpu.vector_load %arg7[%swap3A_126] {strides = array<i32>} : memref<1600xf32, #tpu.memory_space<vmem>>, vector<16xf32>,
    tpu.vector_store %arg7[%swap3A_126], %broadcast_in_dim3A_4 {strides = array<i32>} : memref<1600xf32, #tpu.memory_space<vmem>>, vector<16xf32>,
    %swap3A_128 = arith.constant 992 : index
    %swap3A_129 = tpu.vector_load %arg7[%swap3A_128] {strides = array<i32>} : memref<1600xf32, #tpu.memory_space<vmem>>, vector<16xf32>,
    tpu.vector_store %arg7[%swap3A_128], %broadcast_in_dim3A_4 {strides = array<i32>} : memref<1600xf32, #tpu.memory_space<vmem>>, vector<16xf32>,
    %swap3A_130 = arith.constant 1008 : index
    %swap3A_131 = tpu.vector_load %arg7[%swap3A_130] {strides = array<i32>} : memref<1600xf32, #tpu.memory_space<vmem>>, vector<16xf32>,
    tpu.vector_store %arg7[%swap3A_130], %broadcast_in_dim3A_4 {strides = array<i32>} : memref<1600xf32, #tpu.memory_space<vmem>>, vector<16xf32>,
    %swap3A_132 = arith.constant 1024 : index
    %swap3A_133 = tpu.vector_load %arg7[%swap3A_132] {strides = array<i32>} : memref<1600xf32, #tpu.memory_space<vmem>>, vector<16xf32>,
    tpu.vector_store %arg7[%swap3A_132], %broadcast_in_dim3A_4 {strides = array<i32>} : memref<1600xf32, #tpu.memory_space<vmem>>, vector<16xf32>,
    %swap3A_134 = arith.constant 1040 : index
    %swap3A_135 = tpu.vector_load %arg7[%swap3A_134] {strides = array<i32>} : memref<1600xf32, #tpu.memory_space<vmem>>, vector<16xf32>,
    tpu.vector_store %arg7[%swap3A_134], %broadcast_in_dim3A_4 {strides = array<i32>} : memref<1600xf32, #tpu.memory_space<vmem>>, vector<16xf32>,
    %swap3A_136 = arith.constant 1056 : index
    %swap3A_137 = tpu.vector_load %arg7[%swap3A_136] {strides = array<i32>} : memref<1600xf32, #tpu.memory_space<vmem>>, vector<16xf32>,
    tpu.vector_store %arg7[%swap3A_136], %broadcast_in_dim3A_4 {strides = array<i32>} : memref<1600xf32, #tpu.memory_space<vmem>>, vector<16xf32>,
    %swap3A_138 = arith.constant 1072 : index
    %swap3A_139 = tpu.vector_load %arg7[%swap3A_138] {strides = array<i32>} : memref<1600xf32, #tpu.memory_space<vmem>>, vector<16xf32>,
    tpu.vector_store %arg7[%swap3A_138], %broadcast_in_dim3A_4 {strides = array<i32>} : memref<1600xf32, #tpu.memory_space<vmem>>, vector<16xf32>,
    %swap3A_140 = arith.constant 1088 : index
    %swap3A_141 = tpu.vector_load %arg7[%swap3A_140] {strides = array<i32>} : memref<1600xf32, #tpu.memory_space<vmem>>, vector<16xf32>,
    tpu.vector_store %arg7[%swap3A_140], %broadcast_in_dim3A_4 {strides = array<i32>} : memref<1600xf32, #tpu.memory_space<vmem>>, vector<16xf32>,
    %swap3A_142 = arith.constant 1104 : index
    %swap3A_143 = tpu.vector_load %arg7[%swap3A_142] {strides = array<i32>} : memref<1600xf32, #tpu.memory_space<vmem>>, vector<16xf32>,
    tpu.vector_store %arg7[%swap3A_142], %broadcast_in_dim3A_4 {strides = array<i32>} : memref<1600xf32, #tpu.memory_space<vmem>>, vector<16xf32>,
    %swap3A_144 = arith.constant 1120 : index
    %swap3A_145 = tpu.vector_load %arg7[%swap3A_144] {strides = array<i32>} : memref<1600xf32, #tpu.memory_space<vmem>>, vector<16xf32>,
    tpu.vector_store %arg7[%swap3A_144], %broadcast_in_dim3A_4 {strides = array<i32>} : memref<1600xf32, #tpu.memory_space<vmem>>, vector<16xf32>,
    %swap3A_146 = arith.constant 1136 : index
    %swap3A_147 = tpu.vector_load %arg7[%swap3A_146] {strides = array<i32>} : memref<1600xf32, #tpu.memory_space<vmem>>, vector<16xf32>,
    tpu.vector_store %arg7[%swap3A_146], %broadcast_in_dim3A_4 {strides = array<i32>} : memref<1600xf32, #tpu.memory_space<vmem>>, vector<16xf32>,
    %swap3A_148 = arith.constant 1152 : index
    %swap3A_149 = tpu.vector_load %arg7[%swap3A_148] {strides = array<i32>} : memref<1600xf32, #tpu.memory_space<vmem>>, vector<16xf32>,
    tpu.vector_store %arg7[%swap3A_148], %broadcast_in_dim3A_4 {strides = array<i32>} : memref<1600xf32, #tpu.memory_space<vmem>>, vector<16xf32>,
    %swap3A_150 = arith.constant 1168 : index
    %swap3A_151 = tpu.vector_load %arg7[%swap3A_150] {strides = array<i32>} : memref<1600xf32, #tpu.memory_space<vmem>>, vector<16xf32>,
    tpu.vector_store %arg7[%swap3A_150], %broadcast_in_dim3A_4 {strides = array<i32>} : memref<1600xf32, #tpu.memory_space<vmem>>, vector<16xf32>,
    %swap3A_152 = arith.constant 1184 : index
    %swap3A_153 = tpu.vector_load %arg7[%swap3A_152] {strides = array<i32>} : memref<1600xf32, #tpu.memory_space<vmem>>, vector<16xf32>,
    tpu.vector_store %arg7[%swap3A_152], %broadcast_in_dim3A_4 {strides = array<i32>} : memref<1600xf32, #tpu.memory_space<vmem>>, vector<16xf32>,
    %swap3A_154 = arith.constant 1200 : index
    %swap3A_155 = tpu.vector_load %arg7[%swap3A_154] {strides = array<i32>} : memref<1600xf32, #tpu.memory_space<vmem>>, vector<16xf32>,
    tpu.vector_store %arg7[%swap3A_154], %broadcast_in_dim3A_4 {strides = array<i32>} : memref<1600xf32, #tpu.memory_space<vmem>>, vector<16xf32>,
    %swap3A_156 = arith.constant 1216 : index
    %swap3A_157 = tpu.vector_load %arg7[%swap3A_156] {strides = array<i32>} : memref<1600xf32, #tpu.memory_space<vmem>>, vector<16xf32>,
    tpu.vector_store %arg7[%swap3A_156], %broadcast_in_dim3A_4 {strides = array<i32>} : memref<1600xf32, #tpu.memory_space<vmem>>, vector<16xf32>,
    %swap3A_158 = arith.constant 1232 : index
    %swap3A_159 = tpu.vector_load %arg7[%swap3A_158] {strides = array<i32>} : memref<1600xf32, #tpu.memory_space<vmem>>, vector<16xf32>,
    tpu.vector_store %arg7[%swap3A_158], %broadcast_in_dim3A_4 {strides = array<i32>} : memref<1600xf32, #tpu.memory_space<vmem>>, vector<16xf32>,
    %swap3A_160 = arith.constant 1248 : index
    %swap3A_161 = tpu.vector_load %arg7[%swap3A_160] {strides = array<i32>} : memref<1600xf32, #tpu.memory_space<vmem>>, vector<16xf32>,
    tpu.vector_store %arg7[%swap3A_160], %broadcast_in_dim3A_4 {strides = array<i32>} : memref<1600xf32, #tpu.memory_space<vmem>>, vector<16xf32>,
    %swap3A_162 = arith.constant 1264 : index
    %swap3A_163 = tpu.vector_load %arg7[%swap3A_162] {strides = array<i32>} : memref<1600xf32, #tpu.memory_space<vmem>>, vector<16xf32>,
    tpu.vector_store %arg7[%swap3A_162], %broadcast_in_dim3A_4 {strides = array<i32>} : memref<1600xf32, #tpu.memory_space<vmem>>, vector<16xf32>,
    %swap3A_164 = arith.constant 1280 : index
    %swap3A_165 = tpu.vector_load %arg7[%swap3A_164] {strides = array<i32>} : memref<1600xf32, #tpu.memory_space<vmem>>, vector<16xf32>,
    tpu.vector_store %arg7[%swap3A_164], %broadcast_in_dim3A_4 {strides = array<i32>} : memref<1600xf32, #tpu.memory_space<vmem>>, vector<16xf32>,
    %swap3A_166 = arith.constant 1296 : index
    %swap3A_167 = tpu.vector_load %arg7[%swap3A_166] {strides = array<i32>} : memref<1600xf32, #tpu.memory_space<vmem>>, vector<16xf32>,
    tpu.vector_store %arg7[%swap3A_166], %broadcast_in_dim3A_4 {strides = array<i32>} : memref<1600xf32, #tpu.memory_space<vmem>>, vector<16xf32>,
    %swap3A_168 = arith.constant 1312 : index
    %swap3A_169 = tpu.vector_load %arg7[%swap3A_168] {strides = array<i32>} : memref<1600xf32, #tpu.memory_space<vmem>>, vector<16xf32>,
    tpu.vector_store %arg7[%swap3A_168], %broadcast_in_dim3A_4 {strides = array<i32>} : memref<1600xf32, #tpu.memory_space<vmem>>, vector<16xf32>,
    %swap3A_170 = arith.constant 1328 : index
    %swap3A_171 = tpu.vector_load %arg7[%swap3A_170] {strides = array<i32>} : memref<1600xf32, #tpu.memory_space<vmem>>, vector<16xf32>,
    tpu.vector_store %arg7[%swap3A_170], %broadcast_in_dim3A_4 {strides = array<i32>} : memref<1600xf32, #tpu.memory_space<vmem>>, vector<16xf32>,
    %swap3A_172 = arith.constant 1344 : index
    %swap3A_173 = tpu.vector_load %arg7[%swap3A_172] {strides = array<i32>} : memref<1600xf32, #tpu.memory_space<vmem>>, vector<16xf32>,
    tpu.vector_store %arg7[%swap3A_172], %broadcast_in_dim3A_4 {strides = array<i32>} : memref<1600xf32, #tpu.memory_space<vmem>>, vector<16xf32>,
    %swap3A_174 = arith.constant 1360 : index
    %swap3A_175 = tpu.vector_load %arg7[%swap3A_174] {strides = array<i32>} : memref<1600xf32, #tpu.memory_space<vmem>>, vector<16xf32>,
    tpu.vector_store %arg7[%swap3A_174], %broadcast_in_dim3A_4 {strides = array<i32>} : memref<1600xf32, #tpu.memory_space<vmem>>, vector<16xf32>,
    %swap3A_176 = arith.constant 1376 : index
    %swap3A_177 = tpu.vector_load %arg7[%swap3A_176] {strides = array<i32>} : memref<1600xf32, #tpu.memory_space<vmem>>, vector<16xf32>,
    tpu.vector_store %arg7[%swap3A_176], %broadcast_in_dim3A_4 {strides = array<i32>} : memref<1600xf32, #tpu.memory_space<vmem>>, vector<16xf32>,
    %swap3A_178 = arith.constant 1392 : index
    %swap3A_179 = tpu.vector_load %arg7[%swap3A_178] {strides = array<i32>} : memref<1600xf32, #tpu.memory_space<vmem>>, vector<16xf32>,
    tpu.vector_store %arg7[%swap3A_178], %broadcast_in_dim3A_4 {strides = array<i32>} : memref<1600xf32, #tpu.memory_space<vmem>>, vector<16xf32>,
    %swap3A_180 = arith.constant 1408 : index
    %swap3A_181 = tpu.vector_load %arg7[%swap3A_180] {strides = array<i32>} : memref<1600xf32, #tpu.memory_space<vmem>>, vector<16xf32>,
    tpu.vector_store %arg7[%swap3A_180], %broadcast_in_dim3A_4 {strides = array<i32>} : memref<1600xf32, #tpu.memory_space<vmem>>, vector<16xf32>,
    %swap3A_182 = arith.constant 1424 : index
    %swap3A_183 = tpu.vector_load %arg7[%swap3A_182] {strides = array<i32>} : memref<1600xf32, #tpu.memory_space<vmem>>, vector<16xf32>,
    tpu.vector_store %arg7[%swap3A_182], %broadcast_in_dim3A_4 {strides = array<i32>} : memref<1600xf32, #tpu.memory_space<vmem>>, vector<16xf32>,
    %swap3A_184 = arith.constant 1440 : index
    %swap3A_185 = tpu.vector_load %arg7[%swap3A_184] {strides = array<i32>} : memref<1600xf32, #tpu.memory_space<vmem>>, vector<16xf32>,
    tpu.vector_store %arg7[%swap3A_184], %broadcast_in_dim3A_4 {strides = array<i32>} : memref<1600xf32, #tpu.memory_space<vmem>>, vector<16xf32>,
    %swap3A_186 = arith.constant 1456 : index
    %swap3A_187 = tpu.vector_load %arg7[%swap3A_186] {strides = array<i32>} : memref<1600xf32, #tpu.memory_space<vmem>>, vector<16xf32>,
    tpu.vector_store %arg7[%swap3A_186], %broadcast_in_dim3A_4 {strides = array<i32>} : memref<1600xf32, #tpu.memory_space<vmem>>, vector<16xf32>,
    %swap3A_188 = arith.constant 1472 : index
    %swap3A_189 = tpu.vector_load %arg7[%swap3A_188] {strides = array<i32>} : memref<1600xf32, #tpu.memory_space<vmem>>, vector<16xf32>,
    tpu.vector_store %arg7[%swap3A_188], %broadcast_in_dim3A_4 {strides = array<i32>} : memref<1600xf32, #tpu.memory_space<vmem>>, vector<16xf32>,
    %swap3A_190 = arith.constant 1488 : index
    %swap3A_191 = tpu.vector_load %arg7[%swap3A_190] {strides = array<i32>} : memref<1600xf32, #tpu.memory_space<vmem>>, vector<16xf32>,
    tpu.vector_store %arg7[%swap3A_190], %broadcast_in_dim3A_4 {strides = array<i32>} : memref<1600xf32, #tpu.memory_space<vmem>>, vector<16xf32>,
    %swap3A_192 = arith.constant 1504 : index
    %swap3A_193 = tpu.vector_load %arg7[%swap3A_192] {strides = array<i32>} : memref<1600xf32, #tpu.memory_space<vmem>>, vector<16xf32>,
    tpu.vector_store %arg7[%swap3A_192], %broadcast_in_dim3A_4 {strides = array<i32>} : memref<1600xf32, #tpu.memory_space<vmem>>, vector<16xf32>,
    %swap3A_194 = arith.constant 1520 : index
    %swap3A_195 = tpu.vector_load %arg7[%swap3A_194] {strides = array<i32>} : memref<1600xf32, #tpu.memory_space<vmem>>, vector<16xf32>,
    tpu.vector_store %arg7[%swap3A_194], %broadcast_in_dim3A_4 {strides = array<i32>} : memref<1600xf32, #tpu.memory_space<vmem>>, vector<16xf32>,
    %swap3A_196 = arith.constant 1536 : index
    %swap3A_197 = tpu.vector_load %arg7[%swap3A_196] {strides = array<i32>} : memref<1600xf32, #tpu.memory_space<vmem>>, vector<16xf32>,
    tpu.vector_store %arg7[%swap3A_196], %broadcast_in_dim3A_4 {strides = array<i32>} : memref<1600xf32, #tpu.memory_space<vmem>>, vector<16xf32>,
    %swap3A_198 = arith.constant 1552 : index
    %swap3A_199 = tpu.vector_load %arg7[%swap3A_198] {strides = array<i32>} : memref<1600xf32, #tpu.memory_space<vmem>>, vector<16xf32>,
    tpu.vector_store %arg7[%swap3A_198], %broadcast_in_dim3A_4 {strides = array<i32>} : memref<1600xf32, #tpu.memory_space<vmem>>, vector<16xf32>,
    %swap3A_200 = arith.constant 1568 : index
    %swap3A_201 = tpu.vector_load %arg7[%swap3A_200] {strides = array<i32>} : memref<1600xf32, #tpu.memory_space<vmem>>, vector<16xf32>,
    tpu.vector_store %arg7[%swap3A_200], %broadcast_in_dim3A_4 {strides = array<i32>} : memref<1600xf32, #tpu.memory_space<vmem>>, vector<16xf32>,
    %swap3A_202 = arith.constant 1584 : index
    %swap3A_203 = tpu.vector_load %arg7[%swap3A_202] {strides = array<i32>} : memref<1600xf32, #tpu.memory_space<vmem>>, vector<16xf32>,
    tpu.vector_store %arg7[%swap3A_202], %broadcast_in_dim3A_4 {strides = array<i32>} : memref<1600xf32, #tpu.memory_space<vmem>>, vector<16xf32>,
    %dma_wait3A = arith.constant 0 : i32
    %dma_wait3A_204 = tpu.memref_slice %arg3[%dma_wait3A] : memref<100000xi32, #tpu.memory_space<hbm>> -> memref<100000xi32, #tpu.memory_space<hbm>>
    tpu.wait_indirect_dma semaphore(%arg8 : memref<!tpu.dma_semaphore, #tpu.memory_space<semaphore_mem>>) src(%dma_wait3A_204 : memref<100000xi32, #tpu.memory_space<hbm>>) dst(%arg6 : memref<32xi32, #tpu.memory_space<vmem>>)
    %broadcast_in_dim3A_205 = arith.constant 1.000000e+00 : f32
    %broadcast_in_dim3A_206 = vector.broadcast %broadcast_in_dim3A_205 : f32 to vector<16xf32>
    %iota3A = tpu.iota {dimensions = array<i32: 0>} : vector<16xi32>
    %get3A = arith.constant 0 : index
    %get3A_207 = tpu.vector_load %arg6[%get3A] {strides = array<i32>} : memref<32xi32, #tpu.memory_space<vmem>>, vector<16xi32>,
    %shift_right_logical3A = arith.constant 0 : i32
    %shift_right_logical3A_208 = vector.broadcast %shift_right_logical3A : i32 to vector<16xi32>
    %shift_right_logical3A_209 = arith.shrui %get3A_207, %shift_right_logical3A_208 : vector<16xi32>
    %and3A = arith.constant 15 : i32
    %and3A_210 = vector.broadcast %and3A : i32 to vector<16xi32>
    %and3A_211 = arith.andi %shift_right_logical3A_209, %and3A_210 : vector<16xi32>
    %add3A_212 = arith.constant 0 : i32
    %add3A_213 = vector.broadcast %add3A_212 : i32 to vector<16xi32>
    %add3A_214 = arith.addi %add3A_213, %iota3A : vector<16xi32>
    %mul3A_215 = arith.constant 50 : i32
    %mul3A_216 = vector.broadcast %mul3A_215 : i32 to vector<16xi32>
    %mul3A_217 = arith.muli %add3A_214, %mul3A_216 : vector<16xi32>
    %add3A_218 = arith.constant 0 : i32
    %add3A_219 = vector.broadcast %add3A_218 : i32 to vector<16xi32>
    %add3A_220 = arith.addi %mul3A_217, %add3A_219 : vector<16xi32>
    %add3A_221 = arith.addi %add3A_220, %and3A_211 : vector<16xi32>
    tpu.vector_store_idx %arg7[%add3A_221], %broadcast_in_dim3A_206 : memref<1600xf32, #tpu.memory_space<vmem>>[vector<16xi32>], vector<16xf32>,
    %shift_right_logical3A_222 = arith.constant 4 : i32
    %shift_right_logical3A_223 = vector.broadcast %shift_right_logical3A_222 : i32 to vector<16xi32>
    %shift_right_logical3A_224 = arith.shrui %get3A_207, %shift_right_logical3A_223 : vector<16xi32>
    %and3A_225 = arith.constant 15 : i32
    %and3A_226 = vector.broadcast %and3A_225 : i32 to vector<16xi32>
    %and3A_227 = arith.andi %shift_right_logical3A_224, %and3A_226 : vector<16xi32>
    %add3A_228 = arith.constant 0 : i32
    %add3A_229 = vector.broadcast %add3A_228 : i32 to vector<16xi32>
    %add3A_230 = arith.addi %add3A_229, %iota3A : vector<16xi32>
    %mul3A_231 = arith.constant 50 : i32
    %mul3A_232 = vector.broadcast %mul3A_231 : i32 to vector<16xi32>
    %mul3A_233 = arith.muli %add3A_230, %mul3A_232 : vector<16xi32>
    %add3A_234 = arith.constant 10 : i32
    %add3A_235 = vector.broadcast %add3A_234 : i32 to vector<16xi32>
    %add3A_236 = arith.addi %mul3A_233, %add3A_235 : vector<16xi32>
    %add3A_237 = arith.addi %add3A_236, %and3A_227 : vector<16xi32>
    tpu.vector_store_idx %arg7[%add3A_237], %broadcast_in_dim3A_206 : memref<1600xf32, #tpu.memory_space<vmem>>[vector<16xi32>], vector<16xf32>,
    %shift_right_logical3A_238 = arith.constant 8 : i32
    %shift_right_logical3A_239 = vector.broadcast %shift_right_logical3A_238 : i32 to vector<16xi32>
    %shift_right_logical3A_240 = arith.shrui %get3A_207, %shift_right_logical3A_239 : vector<16xi32>
    %and3A_241 = arith.constant 15 : i32
    %and3A_242 = vector.broadcast %and3A_241 : i32 to vector<16xi32>
    %and3A_243 = arith.andi %shift_right_logical3A_240, %and3A_242 : vector<16xi32>
    %add3A_244 = arith.constant 0 : i32
    %add3A_245 = vector.broadcast %add3A_244 : i32 to vector<16xi32>
    %add3A_246 = arith.addi %add3A_245, %iota3A : vector<16xi32>
    %mul3A_247 = arith.constant 50 : i32
    %mul3A_248 = vector.broadcast %mul3A_247 : i32 to vector<16xi32>
    %mul3A_249 = arith.muli %add3A_246, %mul3A_248 : vector<16xi32>
    %add3A_250 = arith.constant 20 : i32
    %add3A_251 = vector.broadcast %add3A_250 : i32 to vector<16xi32>
    %add3A_252 = arith.addi %mul3A_249, %add3A_251 : vector<16xi32>
    %add3A_253 = arith.addi %add3A_252, %and3A_243 : vector<16xi32>
    tpu.vector_store_idx %arg7[%add3A_253], %broadcast_in_dim3A_206 : memref<1600xf32, #tpu.memory_space<vmem>>[vector<16xi32>], vector<16xf32>,
    %shift_right_logical3A_254 = arith.constant 12 : i32
    %shift_right_logical3A_255 = vector.broadcast %shift_right_logical3A_254 : i32 to vector<16xi32>
    %shift_right_logical3A_256 = arith.shrui %get3A_207, %shift_right_logical3A_255 : vector<16xi32>
    %and3A_257 = arith.constant 15 : i32
    %and3A_258 = vector.broadcast %and3A_257 : i32 to vector<16xi32>
    %and3A_259 = arith.andi %shift_right_logical3A_256, %and3A_258 : vector<16xi32>
    %add3A_260 = arith.constant 0 : i32
    %add3A_261 = vector.broadcast %add3A_260 : i32 to vector<16xi32>
    %add3A_262 = arith.addi %add3A_261, %iota3A : vector<16xi32>
    %mul3A_263 = arith.constant 50 : i32
    %mul3A_264 = vector.broadcast %mul3A_263 : i32 to vector<16xi32>
    %mul3A_265 = arith.muli %add3A_262, %mul3A_264 : vector<16xi32>
    %add3A_266 = arith.constant 30 : i32
    %add3A_267 = vector.broadcast %add3A_266 : i32 to vector<16xi32>
    %add3A_268 = arith.addi %mul3A_265, %add3A_267 : vector<16xi32>
    %add3A_269 = arith.addi %add3A_268, %and3A_259 : vector<16xi32>
    tpu.vector_store_idx %arg7[%add3A_269], %broadcast_in_dim3A_206 : memref<1600xf32, #tpu.memory_space<vmem>>[vector<16xi32>], vector<16xf32>,
    %shift_right_logical3A_270 = arith.constant 16 : i32
    %shift_right_logical3A_271 = vector.broadcast %shift_right_logical3A_270 : i32 to vector<16xi32>
    %shift_right_logical3A_272 = arith.shrui %get3A_207, %shift_right_logical3A_271 : vector<16xi32>
    %and3A_273 = arith.constant 15 : i32
    %and3A_274 = vector.broadcast %and3A_273 : i32 to vector<16xi32>
    %and3A_275 = arith.andi %shift_right_logical3A_272, %and3A_274 : vector<16xi32>
    %add3A_276 = arith.constant 0 : i32
    %add3A_277 = vector.broadcast %add3A_276 : i32 to vector<16xi32>
    %add3A_278 = arith.addi %add3A_277, %iota3A : vector<16xi32>
    %mul3A_279 = arith.constant 50 : i32
    %mul3A_280 = vector.broadcast %mul3A_279 : i32 to vector<16xi32>
    %mul3A_281 = arith.muli %add3A_278, %mul3A_280 : vector<16xi32>
    %add3A_282 = arith.constant 40 : i32
    %add3A_283 = vector.broadcast %add3A_282 : i32 to vector<16xi32>
    %add3A_284 = arith.addi %mul3A_281, %add3A_283 : vector<16xi32>
    %add3A_285 = arith.addi %add3A_284, %and3A_275 : vector<16xi32>
    tpu.vector_store_idx %arg7[%add3A_285], %broadcast_in_dim3A_206 : memref<1600xf32, #tpu.memory_space<vmem>>[vector<16xi32>], vector<16xf32>,
    %get3A_286 = arith.constant 16 : index
    %get3A_287 = tpu.vector_load %arg6[%get3A_286] {strides = array<i32>} : memref<32xi32, #tpu.memory_space<vmem>>, vector<16xi32>,
    %shift_right_logical3A_288 = arith.constant 0 : i32
    %shift_right_logical3A_289 = vector.broadcast %shift_right_logical3A_288 : i32 to vector<16xi32>
    %shift_right_logical3A_290 = arith.shrui %get3A_287, %shift_right_logical3A_289 : vector<16xi32>
    %and3A_291 = arith.constant 15 : i32
    %and3A_292 = vector.broadcast %and3A_291 : i32 to vector<16xi32>
    %and3A_293 = arith.andi %shift_right_logical3A_290, %and3A_292 : vector<16xi32>
    %add3A_294 = arith.constant 16 : i32
    %add3A_295 = vector.broadcast %add3A_294 : i32 to vector<16xi32>
    %add3A_296 = arith.addi %add3A_295, %iota3A : vector<16xi32>
    %mul3A_297 = arith.constant 50 : i32
    %mul3A_298 = vector.broadcast %mul3A_297 : i32 to vector<16xi32>
    %mul3A_299 = arith.muli %add3A_296, %mul3A_298 : vector<16xi32>
    %add3A_300 = arith.constant 0 : i32
    %add3A_301 = vector.broadcast %add3A_300 : i32 to vector<16xi32>
    %add3A_302 = arith.addi %mul3A_299, %add3A_301 : vector<16xi32>
    %add3A_303 = arith.addi %add3A_302, %and3A_293 : vector<16xi32>
    tpu.vector_store_idx %arg7[%add3A_303], %broadcast_in_dim3A_206 : memref<1600xf32, #tpu.memory_space<vmem>>[vector<16xi32>], vector<16xf32>,
    %shift_right_logical3A_304 = arith.constant 4 : i32
    %shift_right_logical3A_305 = vector.broadcast %shift_right_logical3A_304 : i32 to vector<16xi32>
    %shift_right_logical3A_306 = arith.shrui %get3A_287, %shift_right_logical3A_305 : vector<16xi32>
    %and3A_307 = arith.constant 15 : i32
    %and3A_308 = vector.broadcast %and3A_307 : i32 to vector<16xi32>
    %and3A_309 = arith.andi %shift_right_logical3A_306, %and3A_308 : vector<16xi32>
    %add3A_310 = arith.constant 16 : i32
    %add3A_311 = vector.broadcast %add3A_310 : i32 to vector<16xi32>
    %add3A_312 = arith.addi %add3A_311, %iota3A : vector<16xi32>
    %mul3A_313 = arith.constant 50 : i32
    %mul3A_314 = vector.broadcast %mul3A_313 : i32 to vector<16xi32>
    %mul3A_315 = arith.muli %add3A_312, %mul3A_314 : vector<16xi32>
    %add3A_316 = arith.constant 10 : i32
    %add3A_317 = vector.broadcast %add3A_316 : i32 to vector<16xi32>
    %add3A_318 = arith.addi %mul3A_315, %add3A_317 : vector<16xi32>
    %add3A_319 = arith.addi %add3A_318, %and3A_309 : vector<16xi32>
    tpu.vector_store_idx %arg7[%add3A_319], %broadcast_in_dim3A_206 : memref<1600xf32, #tpu.memory_space<vmem>>[vector<16xi32>], vector<16xf32>,
    %shift_right_logical3A_320 = arith.constant 8 : i32
    %shift_right_logical3A_321 = vector.broadcast %shift_right_logical3A_320 : i32 to vector<16xi32>
    %shift_right_logical3A_322 = arith.shrui %get3A_287, %shift_right_logical3A_321 : vector<16xi32>
    %and3A_323 = arith.constant 15 : i32
    %and3A_324 = vector.broadcast %and3A_323 : i32 to vector<16xi32>
    %and3A_325 = arith.andi %shift_right_logical3A_322, %and3A_324 : vector<16xi32>
    %add3A_326 = arith.constant 16 : i32
    %add3A_327 = vector.broadcast %add3A_326 : i32 to vector<16xi32>
    %add3A_328 = arith.addi %add3A_327, %iota3A : vector<16xi32>
    %mul3A_329 = arith.constant 50 : i32
    %mul3A_330 = vector.broadcast %mul3A_329 : i32 to vector<16xi32>
    %mul3A_331 = arith.muli %add3A_328, %mul3A_330 : vector<16xi32>
    %add3A_332 = arith.constant 20 : i32
    %add3A_333 = vector.broadcast %add3A_332 : i32 to vector<16xi32>
    %add3A_334 = arith.addi %mul3A_331, %add3A_333 : vector<16xi32>
    %add3A_335 = arith.addi %add3A_334, %and3A_325 : vector<16xi32>
    tpu.vector_store_idx %arg7[%add3A_335], %broadcast_in_dim3A_206 : memref<1600xf32, #tpu.memory_space<vmem>>[vector<16xi32>], vector<16xf32>,
    %shift_right_logical3A_336 = arith.constant 12 : i32
    %shift_right_logical3A_337 = vector.broadcast %shift_right_logical3A_336 : i32 to vector<16xi32>
    %shift_right_logical3A_338 = arith.shrui %get3A_287, %shift_right_logical3A_337 : vector<16xi32>
    %and3A_339 = arith.constant 15 : i32
    %and3A_340 = vector.broadcast %and3A_339 : i32 to vector<16xi32>
    %and3A_341 = arith.andi %shift_right_logical3A_338, %and3A_340 : vector<16xi32>
    %add3A_342 = arith.constant 16 : i32
    %add3A_343 = vector.broadcast %add3A_342 : i32 to vector<16xi32>
    %add3A_344 = arith.addi %add3A_343, %iota3A : vector<16xi32>
    %mul3A_345 = arith.constant 50 : i32
    %mul3A_346 = vector.broadcast %mul3A_345 : i32 to vector<16xi32>
    %mul3A_347 = arith.muli %add3A_344, %mul3A_346 : vector<16xi32>
    %add3A_348 = arith.constant 30 : i32
    %add3A_349 = vector.broadcast %add3A_348 : i32 to vector<16xi32>
    %add3A_350 = arith.addi %mul3A_347, %add3A_349 : vector<16xi32>
    %add3A_351 = arith.addi %add3A_350, %and3A_341 : vector<16xi32>
    tpu.vector_store_idx %arg7[%add3A_351], %broadcast_in_dim3A_206 : memref<1600xf32, #tpu.memory_space<vmem>>[vector<16xi32>], vector<16xf32>,
    %shift_right_logical3A_352 = arith.constant 16 : i32
    %shift_right_logical3A_353 = vector.broadcast %shift_right_logical3A_352 : i32 to vector<16xi32>
    %shift_right_logical3A_354 = arith.shrui %get3A_287, %shift_right_logical3A_353 : vector<16xi32>
    %and3A_355 = arith.constant 15 : i32
    %and3A_356 = vector.broadcast %and3A_355 : i32 to vector<16xi32>
    %and3A_357 = arith.andi %shift_right_logical3A_354, %and3A_356 : vector<16xi32>
    %add3A_358 = arith.constant 16 : i32
    %add3A_359 = vector.broadcast %add3A_358 : i32 to vector<16xi32>
    %add3A_360 = arith.addi %add3A_359, %iota3A : vector<16xi32>
    %mul3A_361 = arith.constant 50 : i32
    %mul3A_362 = vector.broadcast %mul3A_361 : i32 to vector<16xi32>
    %mul3A_363 = arith.muli %add3A_360, %mul3A_362 : vector<16xi32>
    %add3A_364 = arith.constant 40 : i32
    %add3A_365 = vector.broadcast %add3A_364 : i32 to vector<16xi32>
    %add3A_366 = arith.addi %mul3A_363, %add3A_365 : vector<16xi32>
    %add3A_367 = arith.addi %add3A_366, %and3A_357 : vector<16xi32>
    tpu.vector_store_idx %arg7[%add3A_367], %broadcast_in_dim3A_206 : memref<1600xf32, #tpu.memory_space<vmem>>[vector<16xi32>], vector<16xf32>,
    %mul3A_368 = arith.constant 50 : i32
    %mul3A_369 = arith.muli %mul3A_2, %mul3A_368 : i32
    "tpu.region"() ({
      %run_scoped3A = tpu.sem_alloc : memref<!tpu.dma_semaphore, #tpu.memory_space<semaphore_mem>>
      %dma_start3A_370 = tpu.memref_slice %arg4[%mul3A_369] : memref<51200xf32, #tpu.memory_space<hbm>> -> memref<1600xf32, #tpu.memory_space<hbm>>
      %dma_start3A_371 = tpu.memref_slice %arg4[%mul3A_369] : memref<51200xf32, #tpu.memory_space<hbm>> -> memref<1600xf32, #tpu.memory_space<hbm>>
      tpu.enqueue_dma source(%arg7 : memref<1600xf32, #tpu.memory_space<vmem>>) target(%dma_start3A_371 : memref<1600xf32, #tpu.memory_space<hbm>>) target_semaphore(%run_scoped3A : memref<!tpu.dma_semaphore, #tpu.memory_space<semaphore_mem>>)
      %dma_wait3A_372 = tpu.memref_slice %arg4[%mul3A_369] : memref<51200xf32, #tpu.memory_space<hbm>> -> memref<1600xf32, #tpu.memory_space<hbm>>
      %dma_wait3A_373 = tpu.memref_slice %arg4[%mul3A_369] : memref<51200xf32, #tpu.memory_space<hbm>> -> memref<1600xf32, #tpu.memory_space<hbm>>
      tpu.wait_dma2 semaphore(%run_scoped3A : memref<!tpu.dma_semaphore, #tpu.memory_space<semaphore_mem>>) src(%arg7 : memref<1600xf32, #tpu.memory_space<vmem>>) dst(%dma_wait3A_373 : memref<1600xf32, #tpu.memory_space<hbm>>)
      tpu.yield
    }) : () -> ()
    return
  }
}

module attributes {stable_mosaic.version = 14 : i64} {
  func.func @_argmax_body(%arg0: i32, %arg1: memref<1024x8xi32, #tpu.memory_space<vmem>>, %arg2: memref<5000x512xf32, #tpu.memory_space<vmem>>, %arg3: memref<1024x1xi32, #tpu.memory_space<vmem>>, %arg4: memref<1024x512xf32, #tpu.memory_space<vmem>>, %arg5: memref<1024x1xf32, #tpu.memory_space<vmem>>) attributes {dimension_semantics = [#tpu.dimension_semantics<arbitrary>], iteration_bounds = array<i64: 20>, scalar_prefetch = 0 : i64, scratch_operands = 2 : i64, tpu.core_type = #tpu.core_type<tc>, window_params = [{pipeline_mode = #tpu.pipeline_mode<synchronous>, transform_indices = @transform_0, window_bounds = array<i64: 1024, 8>}, {transform_indices = @transform_1, window_bounds = array<i64: 5000, 512>}, {pipeline_mode = #tpu.pipeline_mode<synchronous>, transform_indices = @transform_2, window_bounds = array<i64: 1024, 1>}]} {
    %eq3A = arith.constant 0 : i32
    %eq3A_0 = arith.cmpi eq, %arg0, %eq3A : i32
    %convert_element_type3A = arith.extui %eq3A_0 : i1 to i32
    %cond3A = arith.constant 0 : i32
    %cond3A_1 = arith.cmpi ne, %convert_element_type3A, %cond3A : i32
    scf.if %cond3A_1 {
      %broadcast_in_dim3A_27 = arith.constant -1.000000e+00 : f32
      %broadcast_in_dim3A_28 = vector.broadcast %broadcast_in_dim3A_27 : f32 to vector<1024x1xf32>
      %swap3A_29 = arith.constant 0 : index
      %swap3A_30 = arith.constant 0 : index
      %swap3A_31 = vector.load %arg5[%swap3A_29, %swap3A_30] : memref<1024x1xf32, #tpu.memory_space<vmem>>, vector<1024x1xf32>
      tpu.vector_store %arg5[%swap3A_29, %swap3A_30], %broadcast_in_dim3A_28 {strides = array<i32>} : memref<1024x1xf32, #tpu.memory_space<vmem>>, vector<1024x1xf32>,
      %get3A_32 = arith.constant 0 : index
      %get3A_33 = arith.constant 0 : index
      %get3A_34 = vector.load %arg1[%get3A_32, %get3A_33] : memref<1024x8xi32, #tpu.memory_space<vmem>>, vector<1024x1xi32>
      %iota3A_35 = tpu.iota {dimensions = array<i32: 1>} : vector<1024x64xi32>
      %eq3A_36 = vector.broadcast %get3A_34 : vector<1024x1xi32> to vector<1024x64xi32>
      %eq3A_37 = arith.cmpi eq, %eq3A_36, %iota3A_35 : vector<1024x64xi32>
      %convert_element_type3A_38 = arith.extui %eq3A_37 : vector<1024x64xi1> to vector<1024x64xi32>
      %convert_element_type3A_39 = arith.sitofp %convert_element_type3A_38 : vector<1024x64xi32> to vector<1024x64xf32>
      %mul3A_40 = arith.constant 1.310720e+05 : f32
      %mul3A_41 = vector.broadcast %mul3A_40 : f32 to vector<1024x64xf32>
      %mul3A_42 = arith.mulf %convert_element_type3A_39, %mul3A_41 : vector<1024x64xf32>
      %swap3A_43 = arith.constant 0 : index
      %swap3A_44 = arith.constant 0 : index
      %swap3A_45 = vector.load %arg4[%swap3A_43, %swap3A_44] : memref<1024x512xf32, #tpu.memory_space<vmem>>, vector<1024x64xf32>
      tpu.vector_store %arg4[%swap3A_43, %swap3A_44], %mul3A_42 {strides = array<i32>} : memref<1024x512xf32, #tpu.memory_space<vmem>>, vector<1024x64xf32>,
      %get3A_46 = arith.constant 0 : index
      %get3A_47 = arith.constant 1 : index
      %get3A_48 = vector.load %arg1[%get3A_46, %get3A_47] : memref<1024x8xi32, #tpu.memory_space<vmem>>, vector<1024x1xi32>
      %iota3A_49 = tpu.iota {dimensions = array<i32: 1>} : vector<1024x64xi32>
      %eq3A_50 = vector.broadcast %get3A_48 : vector<1024x1xi32> to vector<1024x64xi32>
      %eq3A_51 = arith.cmpi eq, %eq3A_50, %iota3A_49 : vector<1024x64xi32>
      %convert_element_type3A_52 = arith.extui %eq3A_51 : vector<1024x64xi1> to vector<1024x64xi32>
      %convert_element_type3A_53 = arith.sitofp %convert_element_type3A_52 : vector<1024x64xi32> to vector<1024x64xf32>
      %mul3A_54 = arith.constant 1.310720e+05 : f32
      %mul3A_55 = vector.broadcast %mul3A_54 : f32 to vector<1024x64xf32>
      %mul3A_56 = arith.mulf %convert_element_type3A_53, %mul3A_55 : vector<1024x64xf32>
      %swap3A_57 = arith.constant 0 : index
      %swap3A_58 = arith.constant 64 : index
      %swap3A_59 = vector.load %arg4[%swap3A_57, %swap3A_58] : memref<1024x512xf32, #tpu.memory_space<vmem>>, vector<1024x64xf32>
      tpu.vector_store %arg4[%swap3A_57, %swap3A_58], %mul3A_56 {strides = array<i32>} : memref<1024x512xf32, #tpu.memory_space<vmem>>, vector<1024x64xf32>,
      %get3A_60 = arith.constant 0 : index
      %get3A_61 = arith.constant 2 : index
      %get3A_62 = vector.load %arg1[%get3A_60, %get3A_61] : memref<1024x8xi32, #tpu.memory_space<vmem>>, vector<1024x1xi32>
      %iota3A_63 = tpu.iota {dimensions = array<i32: 1>} : vector<1024x64xi32>
      %eq3A_64 = vector.broadcast %get3A_62 : vector<1024x1xi32> to vector<1024x64xi32>
      %eq3A_65 = arith.cmpi eq, %eq3A_64, %iota3A_63 : vector<1024x64xi32>
      %convert_element_type3A_66 = arith.extui %eq3A_65 : vector<1024x64xi1> to vector<1024x64xi32>
      %convert_element_type3A_67 = arith.sitofp %convert_element_type3A_66 : vector<1024x64xi32> to vector<1024x64xf32>
      %mul3A_68 = arith.constant 1.310720e+05 : f32
      %mul3A_69 = vector.broadcast %mul3A_68 : f32 to vector<1024x64xf32>
      %mul3A_70 = arith.mulf %convert_element_type3A_67, %mul3A_69 : vector<1024x64xf32>
      %swap3A_71 = arith.constant 0 : index
      %swap3A_72 = arith.constant 128 : index
      %swap3A_73 = vector.load %arg4[%swap3A_71, %swap3A_72] : memref<1024x512xf32, #tpu.memory_space<vmem>>, vector<1024x64xf32>
      tpu.vector_store %arg4[%swap3A_71, %swap3A_72], %mul3A_70 {strides = array<i32>} : memref<1024x512xf32, #tpu.memory_space<vmem>>, vector<1024x64xf32>,
      %get3A_74 = arith.constant 0 : index
      %get3A_75 = arith.constant 3 : index
      %get3A_76 = vector.load %arg1[%get3A_74, %get3A_75] : memref<1024x8xi32, #tpu.memory_space<vmem>>, vector<1024x1xi32>
      %iota3A_77 = tpu.iota {dimensions = array<i32: 1>} : vector<1024x64xi32>
      %eq3A_78 = vector.broadcast %get3A_76 : vector<1024x1xi32> to vector<1024x64xi32>
      %eq3A_79 = arith.cmpi eq, %eq3A_78, %iota3A_77 : vector<1024x64xi32>
      %convert_element_type3A_80 = arith.extui %eq3A_79 : vector<1024x64xi1> to vector<1024x64xi32>
      %convert_element_type3A_81 = arith.sitofp %convert_element_type3A_80 : vector<1024x64xi32> to vector<1024x64xf32>
      %mul3A_82 = arith.constant 1.310720e+05 : f32
      %mul3A_83 = vector.broadcast %mul3A_82 : f32 to vector<1024x64xf32>
      %mul3A_84 = arith.mulf %convert_element_type3A_81, %mul3A_83 : vector<1024x64xf32>
      %swap3A_85 = arith.constant 0 : index
      %swap3A_86 = arith.constant 192 : index
      %swap3A_87 = vector.load %arg4[%swap3A_85, %swap3A_86] : memref<1024x512xf32, #tpu.memory_space<vmem>>, vector<1024x64xf32>
      tpu.vector_store %arg4[%swap3A_85, %swap3A_86], %mul3A_84 {strides = array<i32>} : memref<1024x512xf32, #tpu.memory_space<vmem>>, vector<1024x64xf32>,
      %get3A_88 = arith.constant 0 : index
      %get3A_89 = arith.constant 4 : index
      %get3A_90 = vector.load %arg1[%get3A_88, %get3A_89] : memref<1024x8xi32, #tpu.memory_space<vmem>>, vector<1024x1xi32>
      %iota3A_91 = tpu.iota {dimensions = array<i32: 1>} : vector<1024x64xi32>
      %eq3A_92 = vector.broadcast %get3A_90 : vector<1024x1xi32> to vector<1024x64xi32>
      %eq3A_93 = arith.cmpi eq, %eq3A_92, %iota3A_91 : vector<1024x64xi32>
      %convert_element_type3A_94 = arith.extui %eq3A_93 : vector<1024x64xi1> to vector<1024x64xi32>
      %convert_element_type3A_95 = arith.sitofp %convert_element_type3A_94 : vector<1024x64xi32> to vector<1024x64xf32>
      %mul3A_96 = arith.constant 1.310720e+05 : f32
      %mul3A_97 = vector.broadcast %mul3A_96 : f32 to vector<1024x64xf32>
      %mul3A_98 = arith.mulf %convert_element_type3A_95, %mul3A_97 : vector<1024x64xf32>
      %swap3A_99 = arith.constant 0 : index
      %swap3A_100 = arith.constant 256 : index
      %swap3A_101 = vector.load %arg4[%swap3A_99, %swap3A_100] : memref<1024x512xf32, #tpu.memory_space<vmem>>, vector<1024x64xf32>
      tpu.vector_store %arg4[%swap3A_99, %swap3A_100], %mul3A_98 {strides = array<i32>} : memref<1024x512xf32, #tpu.memory_space<vmem>>, vector<1024x64xf32>,
      %get3A_102 = arith.constant 0 : index
      %get3A_103 = arith.constant 5 : index
      %get3A_104 = vector.load %arg1[%get3A_102, %get3A_103] : memref<1024x8xi32, #tpu.memory_space<vmem>>, vector<1024x1xi32>
      %iota3A_105 = tpu.iota {dimensions = array<i32: 1>} : vector<1024x64xi32>
      %eq3A_106 = vector.broadcast %get3A_104 : vector<1024x1xi32> to vector<1024x64xi32>
      %eq3A_107 = arith.cmpi eq, %eq3A_106, %iota3A_105 : vector<1024x64xi32>
      %convert_element_type3A_108 = arith.extui %eq3A_107 : vector<1024x64xi1> to vector<1024x64xi32>
      %convert_element_type3A_109 = arith.sitofp %convert_element_type3A_108 : vector<1024x64xi32> to vector<1024x64xf32>
      %mul3A_110 = arith.constant 1.310720e+05 : f32
      %mul3A_111 = vector.broadcast %mul3A_110 : f32 to vector<1024x64xf32>
      %mul3A_112 = arith.mulf %convert_element_type3A_109, %mul3A_111 : vector<1024x64xf32>
      %swap3A_113 = arith.constant 0 : index
      %swap3A_114 = arith.constant 320 : index
      %swap3A_115 = vector.load %arg4[%swap3A_113, %swap3A_114] : memref<1024x512xf32, #tpu.memory_space<vmem>>, vector<1024x64xf32>
      tpu.vector_store %arg4[%swap3A_113, %swap3A_114], %mul3A_112 {strides = array<i32>} : memref<1024x512xf32, #tpu.memory_space<vmem>>, vector<1024x64xf32>,
      %get3A_116 = arith.constant 0 : index
      %get3A_117 = arith.constant 6 : index
      %get3A_118 = vector.load %arg1[%get3A_116, %get3A_117] : memref<1024x8xi32, #tpu.memory_space<vmem>>, vector<1024x1xi32>
      %iota3A_119 = tpu.iota {dimensions = array<i32: 1>} : vector<1024x64xi32>
      %eq3A_120 = vector.broadcast %get3A_118 : vector<1024x1xi32> to vector<1024x64xi32>
      %eq3A_121 = arith.cmpi eq, %eq3A_120, %iota3A_119 : vector<1024x64xi32>
      %convert_element_type3A_122 = arith.extui %eq3A_121 : vector<1024x64xi1> to vector<1024x64xi32>
      %convert_element_type3A_123 = arith.sitofp %convert_element_type3A_122 : vector<1024x64xi32> to vector<1024x64xf32>
      %mul3A_124 = arith.constant 1.310720e+05 : f32
      %mul3A_125 = vector.broadcast %mul3A_124 : f32 to vector<1024x64xf32>
      %mul3A_126 = arith.mulf %convert_element_type3A_123, %mul3A_125 : vector<1024x64xf32>
      %swap3A_127 = arith.constant 0 : index
      %swap3A_128 = arith.constant 384 : index
      %swap3A_129 = vector.load %arg4[%swap3A_127, %swap3A_128] : memref<1024x512xf32, #tpu.memory_space<vmem>>, vector<1024x64xf32>
      tpu.vector_store %arg4[%swap3A_127, %swap3A_128], %mul3A_126 {strides = array<i32>} : memref<1024x512xf32, #tpu.memory_space<vmem>>, vector<1024x64xf32>,
      %get3A_130 = arith.constant 0 : index
      %get3A_131 = arith.constant 7 : index
      %get3A_132 = vector.load %arg1[%get3A_130, %get3A_131] : memref<1024x8xi32, #tpu.memory_space<vmem>>, vector<1024x1xi32>
      %iota3A_133 = tpu.iota {dimensions = array<i32: 1>} : vector<1024x64xi32>
      %eq3A_134 = vector.broadcast %get3A_132 : vector<1024x1xi32> to vector<1024x64xi32>
      %eq3A_135 = arith.cmpi eq, %eq3A_134, %iota3A_133 : vector<1024x64xi32>
      %convert_element_type3A_136 = arith.extui %eq3A_135 : vector<1024x64xi1> to vector<1024x64xi32>
      %convert_element_type3A_137 = arith.sitofp %convert_element_type3A_136 : vector<1024x64xi32> to vector<1024x64xf32>
      %mul3A_138 = arith.constant 1.310720e+05 : f32
      %mul3A_139 = vector.broadcast %mul3A_138 : f32 to vector<1024x64xf32>
      %mul3A_140 = arith.mulf %convert_element_type3A_137, %mul3A_139 : vector<1024x64xf32>
      %swap3A_141 = arith.constant 0 : index
      %swap3A_142 = arith.constant 448 : index
      %swap3A_143 = vector.load %arg4[%swap3A_141, %swap3A_142] : memref<1024x512xf32, #tpu.memory_space<vmem>>, vector<1024x64xf32>
      tpu.vector_store %arg4[%swap3A_141, %swap3A_142], %mul3A_140 {strides = array<i32>} : memref<1024x512xf32, #tpu.memory_space<vmem>>, vector<1024x64xf32>,
    } else {
    }
    %get3A = arith.constant 0 : index
    %get3A_2 = arith.constant 0 : index
    %get3A_3 = vector.load %arg4[%get3A, %get3A_2] : memref<1024x512xf32, #tpu.memory_space<vmem>>, vector<1024x512xf32>
    %get3A_4 = arith.constant 0 : index
    %get3A_5 = arith.constant 0 : index
    %get3A_6 = vector.load %arg2[%get3A_4, %get3A_5] : memref<5000x512xf32, #tpu.memory_space<vmem>>, vector<5000x512xf32>
    %dot_general3A = arith.constant dense<0.000000e+00> : vector<1024x5000xf32>
    %dot_general3A_7 = tpu.matmul %get3A_3, %get3A_6, %dot_general3A {dimension_numbers = #tpu.dot_dimension_numbers<[1], [1], [0], [0], [0, 0, 1, 0], [], []>, transpose_lhs_hint = false} : vector<1024x512xf32>, vector<5000x512xf32>, vector<1024x5000xf32> -> vector<1024x5000xf32>
    %iota3A = tpu.iota {dimensions = array<i32: 1>} : vector<1x5000xi32>
    %convert_element_type3A_8 = arith.sitofp %iota3A : vector<1x5000xi32> to vector<1x5000xf32>
    %mul3A = arith.constant 5000 : i32
    %mul3A_9 = arith.muli %arg0, %mul3A : i32
    %convert_element_type3A_10 = arith.sitofp %mul3A_9 : i32 to f32
    %add3A = vector.broadcast %convert_element_type3A_10 : f32 to vector<1x5000xf32>
    %add3A_11 = arith.addf %add3A, %convert_element_type3A_8 : vector<1x5000xf32>
    %sub3A = arith.constant 1.310710e+05 : f32
    %sub3A_12 = vector.broadcast %sub3A : f32 to vector<1x5000xf32>
    %sub3A_13 = arith.subf %sub3A_12, %add3A_11 : vector<1x5000xf32>
    %add3A_14 = vector.broadcast %sub3A_13 : vector<1x5000xf32> to vector<1024x5000xf32>
    %add3A_15 = arith.addf %dot_general3A_7, %add3A_14 : vector<1024x5000xf32>
    %reduce_max3A = arith.constant dense<0xFF800000> : vector<1024xf32>
    %reduce_max3A_16 = vector.multi_reduction <maximumf>, %add3A_15, %reduce_max3A [1] : vector<1024x5000xf32> to vector<1024xf32>
    %broadcast_in_dim3A = vector.shape_cast %reduce_max3A_16 : vector<1024xf32> to vector<1024x1xf32>
    %get3A_17 = arith.constant 0 : index
    %get3A_18 = arith.constant 0 : index
    %get3A_19 = vector.load %arg5[%get3A_17, %get3A_18] : memref<1024x1xf32, #tpu.memory_space<vmem>>, vector<1024x1xf32>
    %max3A = arith.maximumf %get3A_19, %broadcast_in_dim3A : vector<1024x1xf32>
    %swap3A = arith.constant 0 : index
    %swap3A_20 = arith.constant 0 : index
    %swap3A_21 = vector.load %arg5[%swap3A, %swap3A_20] : memref<1024x1xf32, #tpu.memory_space<vmem>>, vector<1024x1xf32>
    tpu.vector_store %arg5[%swap3A, %swap3A_20], %max3A {strides = array<i32>} : memref<1024x1xf32, #tpu.memory_space<vmem>>, vector<1024x1xf32>,
    %eq3A_22 = arith.constant 19 : i32
    %eq3A_23 = arith.cmpi eq, %arg0, %eq3A_22 : i32
    %convert_element_type3A_24 = arith.extui %eq3A_23 : i1 to i32
    %cond3A_25 = arith.constant 0 : i32
    %cond3A_26 = arith.cmpi ne, %convert_element_type3A_24, %cond3A_25 : i32
    scf.if %cond3A_26 {
      %get3A_27 = arith.constant 0 : index
      %get3A_28 = arith.constant 0 : index
      %get3A_29 = vector.load %arg5[%get3A_27, %get3A_28] : memref<1024x1xf32, #tpu.memory_space<vmem>>, vector<1024x1xf32>
      %div3A = arith.constant 1.310720e+05 : f32
      %div3A_30 = vector.broadcast %div3A : f32 to vector<1024x1xf32>
      %div3A_31 = arith.divf %get3A_29, %div3A_30 : vector<1024x1xf32>
      %floor3A = math.floor %div3A_31 : vector<1024x1xf32>
      %mul3A_32 = arith.constant 1.310720e+05 : f32
      %mul3A_33 = vector.broadcast %mul3A_32 : f32 to vector<1024x1xf32>
      %mul3A_34 = arith.mulf %floor3A, %mul3A_33 : vector<1024x1xf32>
      %sub3A_35 = arith.subf %get3A_29, %mul3A_34 : vector<1024x1xf32>
      %sub3A_36 = arith.constant 1.310710e+05 : f32
      %sub3A_37 = vector.broadcast %sub3A_36 : f32 to vector<1024x1xf32>
      %sub3A_38 = arith.subf %sub3A_37, %sub3A_35 : vector<1024x1xf32>
      %convert_element_type3A_39 = arith.fptosi %sub3A_38 : vector<1024x1xf32> to vector<1024x1xi32>
      %swap3A_40 = arith.constant 0 : index
      %swap3A_41 = arith.constant 0 : index
      %swap3A_42 = vector.load %arg3[%swap3A_40, %swap3A_41] : memref<1024x1xi32, #tpu.memory_space<vmem>>, vector<1024x1xi32>
      tpu.vector_store %arg3[%swap3A_40, %swap3A_41], %convert_element_type3A_39 {strides = array<i32>} : memref<1024x1xi32, #tpu.memory_space<vmem>>, vector<1024x1xi32>,
    } else {
    }
    return
  }
  func.func @transform_0(%arg0: i32) -> (i32, i32) {
    %c0_i32 = arith.constant 0 : i32
    %c0_i32_0 = arith.constant 0 : i32
    %c0_i32_1 = arith.constant 0 : i32
    return %c0_i32, %c0_i32_0 : i32, i32
  }
  func.func @transform_1(%arg0: i32) -> (i32, i32) {
    %c0_i32 = arith.constant 0 : i32
    %c0_i32_0 = arith.constant 0 : i32
    return %arg0, %c0_i32 : i32, i32
  }
  func.func @transform_2(%arg0: i32) -> (i32, i32) {
    %c0_i32 = arith.constant 0 : i32
    %c0_i32_0 = arith.constant 0 : i32
    %c0_i32_1 = arith.constant 0 : i32
    return %c0_i32, %c0_i32_0 : i32, i32
  }
}

</mosaic_0001>

<sc_bundles>
// kernel: kernel.4.cloned.1.call-start
scs
__scs_entry_jumppad:
0x0: {  	(pc) =	sbr.rel $0x88, $3  }
0x1: {  	(tag) =	ssettag $0x0;
	lr =	simm.s32 $0x1  }
0x2: {  	[smem:$0x3F9E] =	sst lr;
	_ =	strace $0xD0000000  }
0x3: {  	_ = 	snop  }
0x4: {  	_ = 	snop  }
0x5: {  	_ = 	snop  }
0x6: {  	_ = 	snop  }
0x7: {  	_ = 	snop  }
__scs_overlays_trampoline_lowered:
0x8: {  	[smem:$0x3FAD] =	sst s0  }
0x9: {  	[smem:$0x3FAE] =	sst s1  }
0xa: {  	[smem:$0x3FAF] =	sst s2  }
0xb: {  	[smem:$0x3FB0] =	sst s3  }
0xc: {  	[smem:$0x3FB1] =	sst s4  }
0xd: {  	[smem:$0x3FB2] =	sst s5  }
0xe: {  	[smem:$0x3FB3] =	sst s6  }
0xf: {  	[smem:$0x3FB4] =	sst s7  }
0x10: {  	[smem:$0x3FB5] =	sst s8  }
0x11: {  	[smem:$0x3FB6] =	sst s9;
	s0 =	simm.s32 @!p0 $0x0  }
0x12: {  	s1 =	sld [smem:$0x3F9C];
	s0 =	simm.s32 @p0 $0x1  }
0x13: {  	[smem:$0x3FB7] =	sst s0;
	s0 =	simm.s32 @!p1 $0x0  }
0x14: {  	s2 =	sld [smem:$0x3F9B];
	s0 =	simm.s32 @p1 $0x1  }
0x15: {  	[smem:$0x3FB8] =	sst s0;
	s0 =	simm.s32 @!p2 $0x0  }
0x16: {  	s3 =	sld [smem:$0x3FDB];
	s0 =	simm.s32 @p2 $0x1  }
0x17: {  	s4 =	simm.s32 $0x1BF5;
	[smem:$0x3FBA] =	sst s0  }
0x18: {  	s0 =	sld [smem:$0x3F9D];
	_ =	swait.ge [sflag:s4], $0x0  }
0x19: {  	s7 =	sld [smem:$0x3F9E]  }
0x1a: {  	s8 =	sadd.s32 $0xFFFFE003, lr  }
0x1b: {  	s9 =	sadd.s32 $0xFFFFFEF7, lr;
	s5 =	simm.s32 $0xFFFFFFFF;
	p2 =	slt.u32 s8, $0xFFFFF086  }
0x1c: {  	p1 =	slt.u32 s9, $0xF7A;
	s5 =	simm.s32 @!p2 $0x0  }
0x1d: {  	s5 =	simm.s32 @p1 $0x1;
	p0 =	seq.s32 s7, s2  }
0x1e: {  	s7 =	smul.u32 @!p0 $0xF7A, s2;
	p2 =	seq.s32 @!p0 s5, $0x0  }
0x1f: {  	s9 =	smul.u32 $0xF7A, s1;
	s8 =	simm.s32 @!p0 $0x1BF5;
	p2 =	por !p2, p0  }
0x20: {  	[sflag:s8] =	ssyncset.s32 @!p0 $0xFFFFF086;
	s6 =	sadd.s32 @!p0 s3, s7;
	s7 =	simm.s32 @!p0 $0x108  }
0x21: {  	s3 =	sadd.s32 s3, s9;
	s6 =	sadd.s32 @!p0 $0x88, s6;
	s7 =	simm.s32 @p2 $0x1082  }
0x22: {  	[simem:s7], [sflag:s8] =	dma.local @!p0 [hbm:s6], $0xF7A  }
0x23: {  	s9 =	sor.u32 $0xD0000000, s2;
	s6 =	simm.s32 $0x108;
	_ =	swait.ge @!p0 [sflag:s8], $0x0  }
0x24: {  	s3 =	sadd.s32 $0x88, s3;
	s6 =	simm.s32 @!p1 $0x1082;
	[sflag:s4] =	ssyncset.s32 $0xFFFFF086  }
0x25: {  	[simem:s6], [sflag:s4] =	dma.local [hbm:s3], $0xF7A  }
0x26: {  	[smem:$0x3F9E] =	sst s1;
	(tag) =	ssettag s2;
	_ =	strace s9  }
0x27: {  	s1 =	sld [smem:$0x3FAE]  }
0x28: {  	s2 =	sld [smem:$0x3FAF]  }
0x29: {  	s4 =	sld [smem:$0x3FB1]  }
0x2a: {  	p0 =	seq.s32 s5, $0x0;
	s5 =	sld [smem:$0x3FB2]  }
0x2b: {  	s6 =	sld [smem:$0x3FB3]  }
0x2c: {  	s7 =	sld [smem:$0x3FB4]  }
0x2d: {  	s3 =	simm.s32 $0x108;
	s8 =	sld [smem:$0x3FB5]  }
0x2e: {  	s3 =	simm.s32 @!p0 $0x1082;
	s9 =	sld [smem:$0x3FB6]  }
0x2f: {  	lr =	sadd.s32 s0, s3;
	s0 =	sld [smem:$0x3FAD]  }
0x30: {  	s3 =	sld [smem:$0x3FB0]  }
0x31: {  	[smem:$0x3FB9] =	sst s10  }
0x32: {  	s10 =	sld [smem:$0x3FB7];
	_ =	sdelay $0x3  }
0x33: {  	p0 =	seq.s32 s10, $0x1;
	s10 =	sld [smem:$0x3FB9];
	_ =	sdelay $0x3  }
0x34: {  	[smem:$0x3FB9] =	sst s10  }
0x35: {  	s10 =	sld [smem:$0x3FB8];
	_ =	sdelay $0x3  }
0x36: {  	p1 =	seq.s32 s10, $0x1;
	s10 =	sld [smem:$0x3FB9];
	_ =	sdelay $0x3  }
0x37: {  	[smem:$0x3FB9] =	sst s10  }
0x38: {  	s10 =	sld [smem:$0x3FBA]  }
0x39: {  	_ = 	snop;
	(pc) =	sbr.ind lr, $3  }
0x3a: {  	_ = 	snop  }
0x3b: {  	_ = 	snop  }
0x3c: {  	p2 =	seq.s32 s10, $0x1;
	s10 =	sld [smem:$0x3FB9]  }
0x3d: {  	_ =	shalt  }
0x3e: {  	_ =	shalt  }
0x3f: {  	_ =	shalt  }
0x40: {  	_ =	shalt  }
0x41: {  	_ =	shalt  }
0x42: {  	_ =	shalt  }
0x43: {  	_ =	shalt  }
0x44: {  	_ =	shalt  }
0x45: {  	_ =	shalt  }
0x46: {  	_ =	shalt  }
0x47: {  	_ =	shalt  }
0x48: {  	_ =	shalt  }
0x49: {  	_ =	shalt  }
0x4a: {  	_ =	shalt  }
0x4b: {  	_ =	shalt  }
0x4c: {  	_ =	shalt  }
0x4d: {  	_ =	shalt  }
0x4e: {  	_ =	shalt  }
0x4f: {  	_ =	shalt  }
0x50: {  	_ =	shalt  }
0x51: {  	_ =	shalt  }
0x52: {  	_ =	shalt  }
0x53: {  	_ =	shalt  }
0x54: {  	_ =	shalt  }
0x55: {  	_ =	shalt  }
0x56: {  	_ =	shalt  }
0x57: {  	_ =	shalt  }
0x58: {  	_ =	shalt  }
0x59: {  	_ =	shalt  }
0x5a: {  	_ =	shalt  }
0x5b: {  	_ =	shalt  }
0x5c: {  	_ =	shalt  }
0x5d: {  	_ =	shalt  }
0x5e: {  	_ =	shalt  }
0x5f: {  	_ =	shalt  }
0x60: {  	_ =	shalt  }
0x61: {  	_ =	shalt  }
0x62: {  	_ =	shalt  }
0x63: {  	_ =	shalt  }
0x64: {  	_ =	shalt  }
0x65: {  	_ =	shalt  }
0x66: {  	_ =	shalt  }
0x67: {  	_ =	shalt  }
0x68: {  	_ =	shalt  }
0x69: {  	_ =	shalt  }
0x6a: {  	_ =	shalt  }
0x6b: {  	_ =	shalt  }
0x6c: {  	_ =	shalt  }
0x6d: {  	_ =	shalt  }
0x6e: {  	_ =	shalt  }
0x6f: {  	_ =	shalt  }
0x70: {  	_ =	shalt  }
0x71: {  	_ =	shalt  }
0x72: {  	_ =	shalt  }
0x73: {  	_ =	shalt  }
0x74: {  	_ =	shalt  }
0x75: {  	_ =	shalt  }
0x76: {  	_ =	shalt  }
0x77: {  	_ =	shalt  }
0x78: {  	_ =	shalt  }
0x79: {  	_ =	shalt  }
0x7a: {  	_ =	shalt  }
0x7b: {  	_ =	shalt  }
0x7c: {  	_ =	shalt  }
0x7d: {  	_ =	shalt  }
0x7e: {  	_ =	shalt  }
0x7f: {  	_ =	shalt  }
0x80: {  	_ =	shalt  }
0x81: {  	_ =	shalt  }
0x82: {  	_ =	shalt  }
0x83: {  	_ =	shalt  }
0x84: {  	_ =	shalt  }
0x85: {  	_ =	shalt  }
0x86: {  	_ =	shalt  }
0x87: {  	_ =	shalt  }
.Lfunc_end0:
.L_simem_size_0:
called_computation_lowered:
.L_overlay_start_0:
0x88: {  	s2 =	sld [smem:$0x3FD9]  }
0x89: {  	s3 =	sld [smem:$0x3FFE];
	_ =	sdelay $0x1  }
0x8a: {  	s1 =	srdreg.scid  }
0x8b: {  	s0 =	sand.u32 $0x1, s1  }
0x8c: {  	s17 =	sshll.u32 s0, $0xA;
	s2 =	sadd.s32 s3, s2  }
0x8d: {  	s2 =	sadd.s32 s2, s17  }
0x8e: {  	[smem:$0x3FC5] =	sst s2  }
0x8f: {  	_ = 	snop  }
0x90: {  	s2 =	sld [smem:$0x3FD0];
	(tm) =	ssettm $0x1  }
0x91: {  	s18 =	sld [smem:$0x3FFB];
	_ =	sdelay $0x3  }
0x92: {  	_ =	strace s18  }
0x93: {  	s3 =	sld [smem:$0x3FFC];
	_ =	sdelay $0x3  }
0x94: {  	_ =	strace s3  }
0x95: {  	s3 =	sld [smem:$0x3FFD];
	_ =	sdelay $0x3  }
0x96: {  	_ =	strace s3  }
0x97: {  	_ =	strace $0x8FFFFFFF  }
0x98: {  	s19 =	sld [smem:$0x3FDB];
	_ =	sdelay $0x1  }
0x99: {  	s4 =	simm.s32 $_scs_section_size  }
0x9a: {  	s5 =	simm.s32 $_size__tile_overlayer_lowered;
	s6 =	simm.s32 $_tile_overlayer_lowered  }
0x9b: {  	s22 =	simm.s32 $0x1BFF;
	s21 =	sshll.u32 s6, $0x1;
	s3 =	sadd.s32 s4, s19  }
0x9c: {  	s7 =	simm.s32 $0x0;
	s20 =	sshll.u32 s5, $0x1;
	s5 =	sadd.s32 s21, s3  }
0x9d: {  	[timem:s7], [sflag:s22] =	dma.local [hbm:s5], s20  }
0x9e: {  	_ =	swait.ge [sflag:s22], s20  }
0x9f: {  	s4 =	ssub.s32 $0x0, s20;
	[sflag:s22] =	ssyncset.done $0x0  }
0xa0: {  	[sflag:s22] =	ssyncadd.s32 s4;
	_ =	sdelay $0x1  }
0xa1: {  	s23 =	simm.s32 $0x1B8B  }
0xa2: {  	_ =	swait.ge [sflag:s23], $0x1  }
0xa3: {  	[sflag:s23] =	ssyncset.done $0x0  }
0xa4: {  	s25 =	simm.s32 $0x1B8E;
	s24 =	sld [smem:$0x3FFE];
	[sflag:s23] =	ssyncadd.s32 $0xFFFFFFFF  }
0xa5: {  	s26 =	simm.s32 $execute0_lowered;
	[smem:$0x3FD2] =	sst s25  }
0xa6: {  	s5 =	sshll.u32 s26, $0x1;
	_ =	strace $0x80000046;
	[dreg:$0x1] =	wrdreg $0xFFFFFFFF  }
0xa7: {  	s28 =	simm.s32 $_size_execute0_lowered;
	s3 =	sadd.s32 s3, s5;
	[dreg:$0x0] =	wrdreg $0x0  }
0xa8: {  	s5 =	sshll.u32 s28, $0x1;
	[dreg:$0x2] =	wrdreg s3  }
0xa9: {  	[dreg:$0x3] =	wrdreg s5  }
0xaa: {  	[dreg:$0x4] =	wrdreg $0xC0  }
0xab: {  	_ =	task [dreg:s7], $0x5FFFF  }
0xac: {  	[dreg:$0x1] =	wrdreg $0xFFFFFFFF  }
0xad: {  	[dreg:$0x0] =	wrdreg $0x60  }
0xae: {  	[dreg:$0x2] =	wrdreg s24  }
0xaf: {  	[dreg:$0x3] =	wrdreg s2  }
0xb0: {  	[dreg:$0x4] =	wrdreg $0x9  }
0xb1: {  	_ =	task.clear_ibuf [dreg:s7], $0x5FFFF;
	_ =	strace $0x90000046  }
0xb2: {  	s29 =	simm.s32 $0x9;
	_ =	strace $0x80000048  }
0xb3: {  	_ =	swait.ge [sflag:s29], $0x1  }
0xb4: {  	[sflag:s29] =	ssyncadd.s32 $0xFFFFFFFF  }
0xb5: {  	_ =	strace $0x90000048  }
0xb6: {  	_ =	sfence  }
0xb7: {  	s30 =	sld [smem:$0x0];
	_ =	sdelay $0x2  }
0xb8: {  	s31 =	sshll.u32 s1, $0xD;
	s1 =	sshrl.u32 s1, $0x2  }
0xb9: {  	s3 =	sand.u32 $0x4000, s31;
	s1 =	sadd.s32 s1, s30  }
0xba: {  	s0 =	sor.u32 s3, s0;
	s1 =	sshll.u32 s1, $0x11  }
0xbb: {  	s0 =	sor.u32 s1, s0  }
0xbc: {  	s0 =	sadd.s32 $0x8F2B, s0  }
0xbd: {  	[sflag:s0] =	ssyncadd.remote.s32 $0x1  }
0xbe: {  	_ =	sfence.sel $0xFFFF  }
0xbf: {  	[dreg:$0x0] =	wrdreg $0xFFFFFFFF;
	(pc) =	sbr.abs _section_cstart, $3  }
0xc0: {  	[dreg:$0x1] =	wrdreg $0xFFFFFFFF  }
0xc1: {  	_ =	task.clear_ibuf [dreg:s7], $0x2FFFF;
	_ =	strace $0x9FFFFFFF  }
0xc2: {  	(tm) =	ssettm $0x7FFFFFFF  }
0xc3: {  	_ =	shalt  }
tec
execute0_lowered:
.L_overlay_start_1:
0x0: {  	(tag) =	ssettag $0x1  }
0x1: {  	s4 =	rddreg [dreg:$0x0]  }
0x2: {  	s5 =	rddreg [dreg:$0x1]  }
0x3: {  	s0 =	rddreg [dreg:$0x2]  }
0x4: {  	s2 =	simm.s32 $0x0;
	s3 =	srdreg.scid;
	s1 =	stileid.u32  }
0x5: {  	v0 =	vlaneseq.u32;
	s10 =	simm.s32 $0x40;
	s3 =	sand.u32 $0x1, s3;
	s6 =	sshll.u32 s1, $0x1  }
0x6: {  	[smem:$0x7FF] =	sst s2;
	v0 =	vmul.u32 $0x32, v0;
	s7 =	ssub.s32 $0x2, s3;
	s3 =	sor.u32 s3, s6  }
0x7: {  	v1 =	vimm.f32 $0.0e+00;
	v2 =	vimm.f32 $1.000000000e+00;
	_ =	strace $0x80000047;
	s31 =	sshrl.u32 s7, $0x1;
	s8 =	sshll.u32 s3, $0x2  }
0x8: {  	s9 =	smul.u32 $0xC8, s3;
	s3 =	sadd.s32 $0x200, s4;
	v3 =	vadd.s32 $0xA, v0;
	v4 =	vadd.s32 $0x14, v0;
	v5 =	vadd.s32 $0x1E, v0;
	s6 =	ssub.s32 s7, s31  }
0x9: {  	v6 =	vadd.s32 $0x28, v0;
	v7 =	vadd.s32 $0x320, v0;
	v8 =	vadd.s32 $0x32A, v0;
	s4 =	sadd.s32 s4, s8;
	s7 =	simm.s32 $0x2;
	s8 =	simm.s32 $0x20  }
0xa: {  	v9 =	vadd.s32 $0x334, v0;
	v10 =	vadd.s32 $0x33E, v0;
	v11 =	vadd.s32 $0x348, v0;
	s5 =	sadd.s32 s5, s9;
	s6 =	smax.u32 s6, $0x1;
	s9 =	simm.s32 $0x1  }
.LBB2_1:
0xb: {  	[tilespmem:s2], [sflag:$0x2] =	stream.linear.gather [hbm4b:s4+s2], $0x20, $0x38;
	[tilespmem:$0x680] =	vst v63  }
0xc: {  	_ =	swait.ge [sflag:s7], $0x20  }
0xd: {  	[sflag:s7] =	ssyncset.done $0x0  }
0xe: {  	[sflag:s7] =	ssyncadd.s32 $0xFFFFFFE0  }
0xf: {  	[tilespmem:s8], [sflag:$0x1] =	stream.indirect.gather [hbm4b:s3+s8], $0x1, s2, s8, $0xb8;
	[tilespmem:$0x680] =	vst v63  }
0x10: {  	[tilespmem:$0x40] =	vst v1  }
0x11: {  	[tilespmem:$0x50] =	vst v1  }
0x12: {  	[tilespmem:$0x60] =	vst v1  }
0x13: {  	[tilespmem:$0x70] =	vst v1  }
0x14: {  	[tilespmem:$0x80] =	vst v1  }
0x15: {  	[tilespmem:$0x90] =	vst v1  }
0x16: {  	[tilespmem:$0xA0] =	vst v1  }
0x17: {  	[tilespmem:$0xB0] =	vst v1  }
0x18: {  	[tilespmem:$0xC0] =	vst v1  }
0x19: {  	[tilespmem:$0xD0] =	vst v1  }
0x1a: {  	[tilespmem:$0xE0] =	vst v1  }
0x1b: {  	[tilespmem:$0xF0] =	vst v1  }
0x1c: {  	[tilespmem:$0x100] =	vst v1  }
0x1d: {  	[tilespmem:$0x110] =	vst v1  }
0x1e: {  	[tilespmem:$0x120] =	vst v1  }
0x1f: {  	[tilespmem:$0x130] =	vst v1  }
0x20: {  	[tilespmem:$0x140] =	vst v1  }
0x21: {  	[tilespmem:$0x150] =	vst v1  }
0x22: {  	[tilespmem:$0x160] =	vst v1  }
0x23: {  	[tilespmem:$0x170] =	vst v1  }
0x24: {  	[tilespmem:$0x180] =	vst v1  }
0x25: {  	[tilespmem:$0x190] =	vst v1  }
0x26: {  	[tilespmem:$0x1A0] =	vst v1  }
0x27: {  	[tilespmem:$0x1B0] =	vst v1  }
0x28: {  	[tilespmem:$0x1C0] =	vst v1  }
0x29: {  	[tilespmem:$0x1D0] =	vst v1  }
0x2a: {  	[tilespmem:$0x1E0] =	vst v1  }
0x2b: {  	[tilespmem:$0x1F0] =	vst v1  }
0x2c: {  	[tilespmem:$0x200] =	vst v1  }
0x2d: {  	[tilespmem:$0x210] =	vst v1  }
0x2e: {  	[tilespmem:$0x220] =	vst v1  }
0x2f: {  	[tilespmem:$0x230] =	vst v1  }
0x30: {  	[tilespmem:$0x240] =	vst v1  }
0x31: {  	[tilespmem:$0x250] =	vst v1  }
0x32: {  	[tilespmem:$0x260] =	vst v1  }
0x33: {  	[tilespmem:$0x270] =	vst v1  }
0x34: {  	[tilespmem:$0x280] =	vst v1  }
0x35: {  	[tilespmem:$0x290] =	vst v1  }
0x36: {  	[tilespmem:$0x2A0] =	vst v1  }
0x37: {  	[tilespmem:$0x2B0] =	vst v1  }
0x38: {  	[tilespmem:$0x2C0] =	vst v1  }
0x39: {  	[tilespmem:$0x2D0] =	vst v1  }
0x3a: {  	[tilespmem:$0x2E0] =	vst v1  }
0x3b: {  	[tilespmem:$0x2F0] =	vst v1  }
0x3c: {  	[tilespmem:$0x300] =	vst v1  }
0x3d: {  	[tilespmem:$0x310] =	vst v1  }
0x3e: {  	[tilespmem:$0x320] =	vst v1  }
0x3f: {  	[tilespmem:$0x330] =	vst v1  }
0x40: {  	[tilespmem:$0x340] =	vst v1  }
0x41: {  	[tilespmem:$0x350] =	vst v1  }
0x42: {  	[tilespmem:$0x360] =	vst v1  }
0x43: {  	[tilespmem:$0x370] =	vst v1  }
0x44: {  	[tilespmem:$0x380] =	vst v1  }
0x45: {  	[tilespmem:$0x390] =	vst v1  }
0x46: {  	[tilespmem:$0x3A0] =	vst v1  }
0x47: {  	[tilespmem:$0x3B0] =	vst v1  }
0x48: {  	[tilespmem:$0x3C0] =	vst v1  }
0x49: {  	[tilespmem:$0x3D0] =	vst v1  }
0x4a: {  	[tilespmem:$0x3E0] =	vst v1  }
0x4b: {  	[tilespmem:$0x3F0] =	vst v1  }
0x4c: {  	[tilespmem:$0x400] =	vst v1  }
0x4d: {  	[tilespmem:$0x410] =	vst v1  }
0x4e: {  	[tilespmem:$0x420] =	vst v1  }
0x4f: {  	[tilespmem:$0x430] =	vst v1  }
0x50: {  	[tilespmem:$0x440] =	vst v1  }
0x51: {  	[tilespmem:$0x450] =	vst v1  }
0x52: {  	[tilespmem:$0x460] =	vst v1  }
0x53: {  	[tilespmem:$0x470] =	vst v1  }
0x54: {  	[tilespmem:$0x480] =	vst v1  }
0x55: {  	[tilespmem:$0x490] =	vst v1  }
0x56: {  	[tilespmem:$0x4A0] =	vst v1  }
0x57: {  	[tilespmem:$0x4B0] =	vst v1  }
0x58: {  	[tilespmem:$0x4C0] =	vst v1  }
0x59: {  	[tilespmem:$0x4D0] =	vst v1  }
0x5a: {  	[tilespmem:$0x4E0] =	vst v1  }
0x5b: {  	[tilespmem:$0x4F0] =	vst v1  }
0x5c: {  	[tilespmem:$0x500] =	vst v1  }
0x5d: {  	[tilespmem:$0x510] =	vst v1  }
0x5e: {  	[tilespmem:$0x520] =	vst v1  }
0x5f: {  	[tilespmem:$0x530] =	vst v1  }
0x60: {  	[tilespmem:$0x540] =	vst v1  }
0x61: {  	[tilespmem:$0x550] =	vst v1  }
0x62: {  	[tilespmem:$0x560] =	vst v1  }
0x63: {  	[tilespmem:$0x570] =	vst v1  }
0x64: {  	[tilespmem:$0x580] =	vst v1  }
0x65: {  	[tilespmem:$0x590] =	vst v1  }
0x66: {  	[tilespmem:$0x5A0] =	vst v1  }
0x67: {  	[tilespmem:$0x5B0] =	vst v1  }
0x68: {  	[tilespmem:$0x5C0] =	vst v1  }
0x69: {  	[tilespmem:$0x5D0] =	vst v1  }
0x6a: {  	[tilespmem:$0x5E0] =	vst v1  }
0x6b: {  	[tilespmem:$0x5F0] =	vst v1  }
0x6c: {  	[tilespmem:$0x600] =	vst v1  }
0x6d: {  	[tilespmem:$0x610] =	vst v1  }
0x6e: {  	[tilespmem:$0x620] =	vst v1  }
0x6f: {  	[tilespmem:$0x630] =	vst v1  }
0x70: {  	[tilespmem:$0x640] =	vst v1  }
0x71: {  	[tilespmem:$0x650] =	vst v1  }
0x72: {  	[tilespmem:$0x660] =	vst v1  }
0x73: {  	[tilespmem:$0x670] =	vst v1  }
0x74: {  	_ =	swait.ge [sflag:s9], $0x20  }
0x75: {  	[sflag:s9] =	ssyncset.done $0x0  }
0x76: {  	[sflag:s9] =	ssyncadd.s32 $0xFFFFFFE0  }
0x77: {  	v12 =	vld [tilespmem:$0x20];
	_ =	sdelay $0x4  }
0x78: {  	v13 =	vand.u32 $0xF, v12;
	v14 =	vshrl.u32 v12, $0x4  }
0x79: {  	v15 =	vshrl.u32 v12, $0x8;
	v13 =	vadd.s32 v0, v13;
	v14 =	vand.u32 $0xF, v14  }
0x7a: {  	v16 =	vshrl.u32 v12, $0xC;
	v15 =	vand.u32 $0xF, v15;
	v14 =	vadd.s32 v3, v14  }
0x7b: {  	v12 =	vshrl.u32 v12, $0x10;
	v16 =	vand.u32 $0xF, v16;
	v15 =	vadd.s32 v4, v15  }
0x7c: {  	v12 =	vand.u32 $0xF, v12;
	v16 =	vadd.s32 v5, v16  }
0x7d: {  	v12 =	vadd.s32 v6, v12  }
0x7e: {  	[tilespmem:v13+s10+$0x0] =	vst.idx.msk $0xffff, v2  }
0x7f: {  	[tilespmem:v14+s10+$0x0] =	vst.idx.msk $0xffff, v2  }
0x80: {  	[tilespmem:v15+s10+$0x0] =	vst.idx.msk $0xffff, v2  }
0x81: {  	[tilespmem:v16+s10+$0x0] =	vst.idx.msk $0xffff, v2  }
0x82: {  	[tilespmem:v12+s10+$0x0] =	vst.idx.msk $0xffff, v2  }
0x83: {  	v12 =	vld [tilespmem:$0x30];
	_ =	sdelay $0x4  }
0x84: {  	v60 =	vand.u32 $0xF, v12;
	v61 =	vshrl.u32 v12, $0x4  }
0x85: {  	v62 =	vshrl.u32 v12, $0x8;
	v13 =	vadd.s32 v7, v60;
	v14 =	vand.u32 $0xF, v61  }
0x86: {  	v63 =	vshrl.u32 v12, $0xC;
	v15 =	vand.u32 $0xF, v62;
	v14 =	vadd.s32 v8, v14  }
0x87: {  	v12 =	vshrl.u32 v12, $0x10;
	v16 =	vand.u32 $0xF, v63;
	v15 =	vadd.s32 v9, v15  }
0x88: {  	v12 =	vand.u32 $0xF, v12;
	v16 =	vadd.s32 v10, v16  }
0x89: {  	v12 =	vadd.s32 v11, v12  }
0x8a: {  	[tilespmem:v13+s10+$0x0] =	vst.idx.msk $0xffff, v2  }
0x8b: {  	[tilespmem:v14+s10+$0x0] =	vst.idx.msk $0xffff, v2  }
0x8c: {  	[tilespmem:v15+s10+$0x0] =	vst.idx.msk $0xffff, v2  }
0x8d: {  	p0 =	sne.s32 s6, $0x1;
	[tilespmem:v16+s10+$0x0] =	vst.idx.msk $0xffff, v2  }
.Ltmp0:
0x8e: {  	[tilespmem:v12+s10+$0x0] =	vst.idx.msk $0xffff, v2;
	(pc) =	sbr.rel @p0 .LBB2_1-.Ltmp0, $4  }
0x8f: {  	[hbm4b:s5+s2] =	stream.linear.scatter [tilespmem:s10], [sflag:$0x2], $0x640, $0x38;
	[tilespmem:$0x680] =	vst v63  }
0x90: {  	_ =	swait.ge [sflag:s7], $0x640  }
0x91: {  	[sflag:s7] =	ssyncset.done $0x0  }
0x92: {  	s6 =	sadd.s32 $0xFFFFFFFF, s6;
	[sflag:s7] =	ssyncadd.s32 $0xFFFFF9C0  }
0x93: {  	_ =	sfence.sel $0x180000  }
0x94: {  	[bflag:$0x0] =	sbarrier.arrive $0xFFFF  }
0x95: {  	p0 =	sne.s32 s1, $0x0;
	_ =	strace $0x90000047  }
0x96: {  	s0 =	sadd.s32 @!p0 $0x100000, s0;
	[bflag:$0x2] =	sbarrier.arrive $0xFFFF  }
0x97: {  	[sflag:s0] =	ssyncadd.tile.s32 @!p0 $0x1;
	_ =	shalt  }
.Lfunc_end2:
_tile_overlayer_lowered:
.L_overlay_start_2:
0x98: {  	(tag) =	ssettag $0x2  }
0x99: {  	s0 =	rddreg [dreg:$0x0];
	s2 =	stileid.u32  }
0x9a: {  	s1 =	rddreg [dreg:$0x1];
	p0 =	sne.s32 s2, $0x0  }
0x9b: {  	s3 =	rddreg [dreg:$0x2];
	[bflag:$0x3] =	sbarrier.arrive $0xFFFF;
	s2 =	simm.s32 @!p0 $0x1C02  }
0x9c: {  	[timem:s3], [sflag:s2] =	dma.local @!p0 [hbm:s0], s1  }
0x9d: {  	s0 =	simm.s32 @!p0 $0x2  }
0x9e: {  	_ =	swait.ge @!p0 [sflag:s0], s1  }
0x9f: {  	s1 =	ssub.s32 @!p0 $0x0, s1;
	[sflag:s0] =	ssyncset.done @!p0 $0x0  }
0xa0: {  	[sflag:s0] =	ssyncadd.s32 @!p0 s1  }
0xa1: {  	[bflag:$0x3] =	sbarrier.arrive $0xFFFF  }
0xa2: {  	_ =	shalt  }

</sc_bundles>
